<compile_context>
chip_gen: v7x
topology: tpu7x:2x2x1
jax: 0.10.2.dev20260603
libtpu: 0.0.44.dev20260713+nightly
codegen_flags: <defaults>
</compile_context>

<pallas_src>
import functools

import jax
import jax.numpy as jnp
from jax import lax
from jax.experimental import pallas as pl
from jax.experimental.pallas import tpu as pltpu
from jax.experimental.pallas import tpu_sc as plsc

N = 10000
E = 320000
D = 128
L = 16
NC = 2
NS = 16
NW = NC * NS
CHUNK = 128
N_PAD = 10240
TRASH = N
NCHUNK = (E + NW * CHUNK - 1) // (NW * CHUNK)
EPT = NCHUNK * CHUNK
E_PAD = NW * EPT
RPT = N_PAD // NS
ZR = 64

_mesh = plsc.VectorSubcoreMesh(core_axis_name="c", subcore_axis_name="s")



def _count_body(dst_hbm, out_hbm, idx_v, cnt_v):
    c = lax.axis_index("c")
    s = lax.axis_index("s")
    wid = c * NS + s
    pltpu.sync_copy(dst_hbm.at[wid], idx_v)
    zeros = jnp.zeros((L,), jnp.float32)
    ones = jnp.ones((L,), jnp.float32)

    def zero(i, carry):
        cnt_v[pl.ds(i * L, L)] = zeros
        return carry
    lax.fori_loop(0, N_PAD // L, zero, 0)

    def count(i, carry):
        idx = idx_v[pl.ds(i * L, L)]
        plsc.addupdate_scatter(cnt_v, [idx], ones)
        return carry
    lax.fori_loop(0, EPT // L, count, 0)

    pltpu.sync_copy(cnt_v, out_hbm.at[c, s])


_count_kernel = functools.partial(
    pl.kernel,
    out_type=jax.ShapeDtypeStruct((NC, NS, N_PAD), jnp.float32),
    mesh=_mesh,
    compiler_params=pltpu.CompilerParams(needs_layout_passes=False),
    scratch_types=[
        pltpu.VMEM((EPT,), jnp.int32),
        pltpu.VMEM((N_PAD,), jnp.float32),
    ],
)(_count_body)


_RB = 2000
DH = D // NC

def _g_body(x_ref, w_ref, cnt_ref, g_ref):
    deg = 1.0 + jnp.sum(cnt_ref[...], axis=1)
    dinv = lax.rsqrt(deg)
    h = jnp.dot(x_ref[...], w_ref[...], preferred_element_type=jnp.float32)
    g = h * dinv[:, None]
    g_ref[0] = g[:, :DH]
    g_ref[1] = g[:, DH:]


def _compute_g(x, w, cnt):
    return pl.pallas_call(
        _g_body,
        grid=(N // _RB,),
        in_specs=[
            pl.BlockSpec((_RB, D), lambda i: (i, 0)),
            pl.BlockSpec((D, D), lambda i: (0, 0)),
            pl.BlockSpec((_RB, NW), lambda i: (i, 0)),
        ],
        out_specs=pl.BlockSpec((NC, _RB, DH), lambda i: (0, i, 0)),
        out_shape=jax.ShapeDtypeStruct((NC, N, DH), jnp.float32),
    )(x, w, cnt)



NCHUNK2 = E_PAD // (NS * CHUNK)
NBUF = 5
SDEPTH = 2
LASTR = N - (NS - 1) * RPT

def _edge_body(g_hbm, src_hbm, dst_hbm, out_hbm,
               idx_s, idx_d, rows, acc, gsem, ssem):
    c = lax.axis_index("c")
    s = lax.axis_index("s")
    pltpu.sync_copy(src_hbm.at[s], idx_s)
    pltpu.sync_copy(dst_hbm.at[s], idx_d)

    @pl.when(s < NS - 1)
    def _():
        pltpu.sync_copy(g_hbm.at[c, pl.ds(s * RPT, RPT)],
                        acc.at[pl.ds(s * RPT, RPT)])

    @pl.when(s == NS - 1)
    def _():
        pltpu.sync_copy(g_hbm.at[c, pl.ds((NS - 1) * RPT, LASTR)],
                        acc.at[pl.ds((NS - 1) * RPT, LASTR)])

    plsc.subcore_barrier()

    for k in range(NBUF - SDEPTH):
        pltpu.async_copy(g_hbm.at[c].at[idx_s.at[k]], rows.at[k], gsem)

    def chunk(j, carry):
        @pl.when(j >= SDEPTH)
        def _():
            pltpu.make_async_copy(rows.at[(j - SDEPTH) % NBUF],
                                  acc.at[idx_d.at[j - SDEPTH]], ssem).wait()

        pltpu.async_copy(rows.at[j % NBUF], acc.at[idx_d.at[j]], ssem, add=True)
        return carry
    lax.fori_loop(0, NCHUNK2, chunk, 0)

    def drain(j, carry):
        pltpu.make_async_copy(rows.at[j % NBUF], acc.at[idx_d.at[j]],
                              ssem).wait()
        return carry
    lax.fori_loop(NCHUNK2 - SDEPTH, NCHUNK2, drain, 0)

    plsc.subcore_barrier()
    pltpu.sync_copy(acc.at[pl.ds(s * RPT, RPT)],
                    out_hbm.at[c, pl.ds(s * RPT, RPT)])


_edge_kernel = functools.partial(
    pl.kernel,
    out_type=jax.ShapeDtypeStruct((NC, N_PAD, DH), jnp.float32),
    mesh=_mesh,
    compiler_params=pltpu.CompilerParams(needs_layout_passes=False,
                                         use_tc_tiling_on_sc=False),
    scratch_types=[
        pltpu.VMEM((NCHUNK2, CHUNK), jnp.int32),
        pltpu.VMEM((NCHUNK2, CHUNK), jnp.int32),
        pltpu.VMEM((NBUF, CHUNK, DH), jnp.float32),
        pltpu.VMEM_SHARED((N_PAD, DH), jnp.float32),
        pltpu.SemaphoreType.DMA,
        pltpu.SemaphoreType.DMA,
    ],
)(_edge_body)



def _out_body(p_ref, cnt_ref, b_ref, o_ref):
    deg = 1.0 + jnp.sum(cnt_ref[...], axis=1)
    dinv = lax.rsqrt(deg)
    t = jnp.concatenate([p_ref[0], p_ref[1]], axis=1)
    o_ref[...] = t * dinv[:, None] + b_ref[...]


def _epilogue(p, cnt, b2d):
    return pl.pallas_call(
        _out_body,
        grid=(N // _RB,),
        in_specs=[
            pl.BlockSpec((NC, _RB, DH), lambda i: (0, i, 0)),
            pl.BlockSpec((_RB, NW), lambda i: (i, 0)),
            pl.BlockSpec((1, D), lambda i: (0, 0)),
        ],
        out_specs=pl.BlockSpec((_RB, D), lambda i: (i, 0)),
        out_shape=jax.ShapeDtypeStruct((N, D), jnp.float32),
    )(p, cnt, b2d)



def kernel(meta_xs, node_type, edge_index, edge_type, edge_time, W, b):
    src = edge_index[0].astype(jnp.int32)
    dst = edge_index[1].astype(jnp.int32)
    pad = E_PAD - E
    src = jnp.concatenate([src, jnp.zeros((pad,), jnp.int32)])
    dst = jnp.concatenate([dst, jnp.full((pad,), TRASH, jnp.int32)])
    src3 = src.reshape(NS, NCHUNK2, CHUNK)
    dst3 = dst.reshape(NS, NCHUNK2, CHUNK)
    dst2 = dst.reshape(NW, EPT)

    cnt = _count_kernel(dst2).reshape(NW, N_PAD).T
    g = _compute_g(meta_xs, W, cnt)
    p = _edge_kernel(g, src3, dst3)
    return _epilogue(p, cnt, b.reshape(1, D))

# --- scband reference (transcript-rebuilt; emitter-appended) ---
"""Pipeline reference for scband-general-conv-50869592654549 (READ-ONLY COPY).

The authoritative reference and input builder live on the scoring server;
editing this copy changes nothing except your own understanding.
"""

import jax, jax.numpy as jnp
import numpy as np

N = 10000
E = 320000
D_IN = 128
D_OUT = 128


def setup_inputs(seed: int = 0) -> dict:
    key = jax.random.key(seed)
    k1, k2, k3, k4, k5, k6 = jax.random.split(key, 6)
    meta_xs = jax.random.normal(k1, (N, D_IN), dtype=jnp.float32)
    node_type = jax.random.randint(k2, (N,), 0, 3)
    edge_index = jax.random.randint(k3, (2, E), 0, N)
    edge_type = jax.random.randint(k4, (E,), 0, 5)
    edge_time = jax.random.randint(k5, (E,), 0, 100)
    W = jax.random.normal(k6, (D_IN, D_OUT), dtype=jnp.float32) * (1.0 / np.sqrt(D_IN))
    b = jnp.zeros((D_OUT,), dtype=jnp.float32)
    return {"meta_xs": meta_xs, "node_type": node_type, "edge_index": edge_index,
            "edge_type": edge_type, "edge_time": edge_time, "W": W, "b": b}


def reference(meta_xs, node_type, edge_index, edge_type, edge_time, W, b):
    # GeneralConv with conv_name='gcn' dispatches to GCNConv(meta_xs, edge_index).
    # PyG GCNConv: add self loops, symmetric normalization D^-1/2 (A+I) D^-1/2 X W + b
    n = meta_xs.shape[0]
    loop = jnp.arange(n, dtype=edge_index.dtype)
    src = jnp.concatenate([edge_index[0], loop])
    dst = jnp.concatenate([edge_index[1], loop])
    deg = jnp.zeros((n,), dtype=meta_xs.dtype).at[dst].add(1.0)
    dinv = 1.0 / jnp.sqrt(deg)
    norm = dinv[src] * dinv[dst]
    h = meta_xs @ W
    msg = h[src] * norm[:, None]
    out = jnp.zeros((n, W.shape[1]), dtype=meta_xs.dtype).at[dst].add(msg)
    return out + b

if __name__ == "__main__":
    import jax
    _d = setup_inputs()
    print(jax.jit(kernel)(*tuple(_d.values())))

</pallas_src>

<mosaic_0001>
#map = affine_map<(d0, d1) -> (0, 0, 0)>
module attributes {stable_mosaic.version = 14 : i64} {
  func.func @_edge_body(%arg0: i32, %arg1: i32, %arg2: memref<2x10000x64xf32, #tpu.memory_space<hbm>>, %arg3: memref<16x158x128xi32, #tpu.memory_space<hbm>>, %arg4: memref<16x158x128xi32, #tpu.memory_space<hbm>>, %arg5: memref<2x10240x64xf32, #tpu.memory_space<hbm>>, %arg6: memref<158x128xi32, #tpu.memory_space<vmem>>, %arg7: memref<158x128xi32, #tpu.memory_space<vmem>>, %arg8: memref<5x128x64xf32, #tpu.memory_space<vmem>>, %arg9: memref<10240x64xf32, #tpu.memory_space<vmem_shared>>, %arg10: memref<!tpu.dma_semaphore, #tpu.memory_space<semaphore_mem>>, %arg11: memref<!tpu.dma_semaphore, #tpu.memory_space<semaphore_mem>>) attributes {dimension_semantics = [#tpu.dimension_semantics<core_parallel>, #tpu.dimension_semantics<subcore_parallel>], iteration_bounds = array<i64: 2, 16>, scalar_prefetch = 0 : i64, scratch_operands = 6 : i64, tpu.core_type = #tpu.core_type<sc_vector_subcore>, window_params = [{transform_indices = #map}, {transform_indices = #map}, {transform_indices = #map}, {transform_indices = #map}]} {
    "tpu.region"() ({
      %run_scoped3A = tpu.sem_alloc : memref<!tpu.dma_semaphore, #tpu.memory_space<semaphore_mem>>
      %dma_start3A_68 = arith.constant 0 : i32
      %dma_start3A_69 = arith.constant 0 : i32
      %dma_start3A_70 = tpu.memref_slice %arg3[%arg1, %dma_start3A_68, %dma_start3A_69] : memref<16x158x128xi32, #tpu.memory_space<hbm>> -> memref<1x158x128xi32, #tpu.memory_space<hbm>>
      %dma_start3A_71 = tpu.memref_squeeze %dma_start3A_70 : memref<1x158x128xi32, #tpu.memory_space<hbm>> -> memref<158x128xi32, #tpu.memory_space<hbm>>
      %dma_start3A_72 = arith.constant 0 : i32
      %dma_start3A_73 = arith.constant 0 : i32
      %dma_start3A_74 = tpu.memref_slice %arg3[%arg1, %dma_start3A_72, %dma_start3A_73] : memref<16x158x128xi32, #tpu.memory_space<hbm>> -> memref<1x158x128xi32, #tpu.memory_space<hbm>>
      %dma_start3A_75 = tpu.memref_squeeze %dma_start3A_74 : memref<1x158x128xi32, #tpu.memory_space<hbm>> -> memref<158x128xi32, #tpu.memory_space<hbm>>
      tpu.enqueue_dma source(%dma_start3A_75 : memref<158x128xi32, #tpu.memory_space<hbm>>) target(%arg6 : memref<158x128xi32, #tpu.memory_space<vmem>>) target_semaphore(%run_scoped3A : memref<!tpu.dma_semaphore, #tpu.memory_space<semaphore_mem>>)
      %dma_wait3A = arith.constant 0 : i32
      %dma_wait3A_76 = arith.constant 0 : i32
      %dma_wait3A_77 = tpu.memref_slice %arg3[%arg1, %dma_wait3A, %dma_wait3A_76] : memref<16x158x128xi32, #tpu.memory_space<hbm>> -> memref<1x158x128xi32, #tpu.memory_space<hbm>>
      %dma_wait3A_78 = tpu.memref_squeeze %dma_wait3A_77 : memref<1x158x128xi32, #tpu.memory_space<hbm>> -> memref<158x128xi32, #tpu.memory_space<hbm>>
      %dma_wait3A_79 = arith.constant 0 : i32
      %dma_wait3A_80 = arith.constant 0 : i32
      %dma_wait3A_81 = tpu.memref_slice %arg3[%arg1, %dma_wait3A_79, %dma_wait3A_80] : memref<16x158x128xi32, #tpu.memory_space<hbm>> -> memref<1x158x128xi32, #tpu.memory_space<hbm>>
      %dma_wait3A_82 = tpu.memref_squeeze %dma_wait3A_81 : memref<1x158x128xi32, #tpu.memory_space<hbm>> -> memref<158x128xi32, #tpu.memory_space<hbm>>
      tpu.wait_dma2 semaphore(%run_scoped3A : memref<!tpu.dma_semaphore, #tpu.memory_space<semaphore_mem>>) src(%dma_wait3A_82 : memref<158x128xi32, #tpu.memory_space<hbm>>) dst(%arg6 : memref<158x128xi32, #tpu.memory_space<vmem>>)
      tpu.yield
    }) : () -> ()
    "tpu.region"() ({
      %run_scoped3A = tpu.sem_alloc : memref<!tpu.dma_semaphore, #tpu.memory_space<semaphore_mem>>
      %dma_start3A_68 = arith.constant 0 : i32
      %dma_start3A_69 = arith.constant 0 : i32
      %dma_start3A_70 = tpu.memref_slice %arg4[%arg1, %dma_start3A_68, %dma_start3A_69] : memref<16x158x128xi32, #tpu.memory_space<hbm>> -> memref<1x158x128xi32, #tpu.memory_space<hbm>>
      %dma_start3A_71 = tpu.memref_squeeze %dma_start3A_70 : memref<1x158x128xi32, #tpu.memory_space<hbm>> -> memref<158x128xi32, #tpu.memory_space<hbm>>
      %dma_start3A_72 = arith.constant 0 : i32
      %dma_start3A_73 = arith.constant 0 : i32
      %dma_start3A_74 = tpu.memref_slice %arg4[%arg1, %dma_start3A_72, %dma_start3A_73] : memref<16x158x128xi32, #tpu.memory_space<hbm>> -> memref<1x158x128xi32, #tpu.memory_space<hbm>>
      %dma_start3A_75 = tpu.memref_squeeze %dma_start3A_74 : memref<1x158x128xi32, #tpu.memory_space<hbm>> -> memref<158x128xi32, #tpu.memory_space<hbm>>
      tpu.enqueue_dma source(%dma_start3A_75 : memref<158x128xi32, #tpu.memory_space<hbm>>) target(%arg7 : memref<158x128xi32, #tpu.memory_space<vmem>>) target_semaphore(%run_scoped3A : memref<!tpu.dma_semaphore, #tpu.memory_space<semaphore_mem>>)
      %dma_wait3A = arith.constant 0 : i32
      %dma_wait3A_76 = arith.constant 0 : i32
      %dma_wait3A_77 = tpu.memref_slice %arg4[%arg1, %dma_wait3A, %dma_wait3A_76] : memref<16x158x128xi32, #tpu.memory_space<hbm>> -> memref<1x158x128xi32, #tpu.memory_space<hbm>>
      %dma_wait3A_78 = tpu.memref_squeeze %dma_wait3A_77 : memref<1x158x128xi32, #tpu.memory_space<hbm>> -> memref<158x128xi32, #tpu.memory_space<hbm>>
      %dma_wait3A_79 = arith.constant 0 : i32
      %dma_wait3A_80 = arith.constant 0 : i32
      %dma_wait3A_81 = tpu.memref_slice %arg4[%arg1, %dma_wait3A_79, %dma_wait3A_80] : memref<16x158x128xi32, #tpu.memory_space<hbm>> -> memref<1x158x128xi32, #tpu.memory_space<hbm>>
      %dma_wait3A_82 = tpu.memref_squeeze %dma_wait3A_81 : memref<1x158x128xi32, #tpu.memory_space<hbm>> -> memref<158x128xi32, #tpu.memory_space<hbm>>
      tpu.wait_dma2 semaphore(%run_scoped3A : memref<!tpu.dma_semaphore, #tpu.memory_space<semaphore_mem>>) src(%dma_wait3A_82 : memref<158x128xi32, #tpu.memory_space<hbm>>) dst(%arg7 : memref<158x128xi32, #tpu.memory_space<vmem>>)
      tpu.yield
    }) : () -> ()
    %lt3A = arith.constant 15 : i32
    %lt3A_0 = arith.cmpi slt, %arg1, %lt3A : i32
    %convert_element_type3A = arith.extui %lt3A_0 : i1 to i32
    %cond3A = arith.constant 0 : i32
    %cond3A_1 = arith.cmpi ne, %convert_element_type3A, %cond3A : i32
    scf.if %cond3A_1 {
      %mul3A_68 = arith.constant 640 : i32
      %mul3A_69 = arith.muli %arg1, %mul3A_68 : i32
      %mul3A_70 = arith.constant 640 : i32
      %mul3A_71 = arith.muli %arg1, %mul3A_70 : i32
      "tpu.region"() ({
        %run_scoped3A = tpu.sem_alloc : memref<!tpu.dma_semaphore, #tpu.memory_space<semaphore_mem>>
        %dma_start3A_72 = arith.constant 0 : i32
        %dma_start3A_73 = tpu.memref_slice %arg9[%mul3A_71, %dma_start3A_72] : memref<10240x64xf32, #tpu.memory_space<vmem_shared>> -> memref<640x64xf32, #tpu.memory_space<vmem_shared>>
        %dma_start3A_74 = arith.constant 0 : i32
        %dma_start3A_75 = tpu.memref_slice %arg2[%arg0, %mul3A_69, %dma_start3A_74] : memref<2x10000x64xf32, #tpu.memory_space<hbm>> -> memref<1x640x64xf32, #tpu.memory_space<hbm>>
        %dma_start3A_76 = tpu.memref_squeeze %dma_start3A_75 : memref<1x640x64xf32, #tpu.memory_space<hbm>> -> memref<640x64xf32, #tpu.memory_space<hbm>>
        tpu.enqueue_dma source(%dma_start3A_76 : memref<640x64xf32, #tpu.memory_space<hbm>>) target(%dma_start3A_73 : memref<640x64xf32, #tpu.memory_space<vmem_shared>>) target_semaphore(%run_scoped3A : memref<!tpu.dma_semaphore, #tpu.memory_space<semaphore_mem>>)
        %dma_wait3A = arith.constant 0 : i32
        %dma_wait3A_77 = tpu.memref_slice %arg9[%mul3A_71, %dma_wait3A] : memref<10240x64xf32, #tpu.memory_space<vmem_shared>> -> memref<640x64xf32, #tpu.memory_space<vmem_shared>>
        %dma_wait3A_78 = arith.constant 0 : i32
        %dma_wait3A_79 = tpu.memref_slice %arg2[%arg0, %mul3A_69, %dma_wait3A_78] : memref<2x10000x64xf32, #tpu.memory_space<hbm>> -> memref<1x640x64xf32, #tpu.memory_space<hbm>>
        %dma_wait3A_80 = tpu.memref_squeeze %dma_wait3A_79 : memref<1x640x64xf32, #tpu.memory_space<hbm>> -> memref<640x64xf32, #tpu.memory_space<hbm>>
        tpu.wait_dma2 semaphore(%run_scoped3A : memref<!tpu.dma_semaphore, #tpu.memory_space<semaphore_mem>>) src(%dma_wait3A_80 : memref<640x64xf32, #tpu.memory_space<hbm>>) dst(%dma_wait3A_77 : memref<640x64xf32, #tpu.memory_space<vmem_shared>>)
        tpu.yield
      }) : () -> ()
    } else {
    }
    %eq3A = arith.constant 15 : i32
    %eq3A_2 = arith.cmpi eq, %arg1, %eq3A : i32
    %convert_element_type3A_3 = arith.extui %eq3A_2 : i1 to i32
    %cond3A_4 = arith.constant 0 : i32
    %cond3A_5 = arith.cmpi ne, %convert_element_type3A_3, %cond3A_4 : i32
    scf.if %cond3A_5 {
      "tpu.region"() ({
        %run_scoped3A = tpu.sem_alloc : memref<!tpu.dma_semaphore, #tpu.memory_space<semaphore_mem>>
        %dma_start3A_68 = arith.constant 9600 : i32
        %dma_start3A_69 = arith.constant 0 : i32
        %dma_start3A_70 = tpu.memref_slice %arg9[%dma_start3A_68, %dma_start3A_69] : memref<10240x64xf32, #tpu.memory_space<vmem_shared>> -> memref<400x64xf32, #tpu.memory_space<vmem_shared>>
        %dma_start3A_71 = arith.constant 9600 : i32
        %dma_start3A_72 = arith.constant 0 : i32
        %dma_start3A_73 = tpu.memref_slice %arg2[%arg0, %dma_start3A_71, %dma_start3A_72] : memref<2x10000x64xf32, #tpu.memory_space<hbm>> -> memref<1x400x64xf32, #tpu.memory_space<hbm>>
        %dma_start3A_74 = tpu.memref_squeeze %dma_start3A_73 : memref<1x400x64xf32, #tpu.memory_space<hbm>> -> memref<400x64xf32, #tpu.memory_space<hbm>>
        tpu.enqueue_dma source(%dma_start3A_74 : memref<400x64xf32, #tpu.memory_space<hbm>>) target(%dma_start3A_70 : memref<400x64xf32, #tpu.memory_space<vmem_shared>>) target_semaphore(%run_scoped3A : memref<!tpu.dma_semaphore, #tpu.memory_space<semaphore_mem>>)
        %dma_wait3A = arith.constant 9600 : i32
        %dma_wait3A_75 = arith.constant 0 : i32
        %dma_wait3A_76 = tpu.memref_slice %arg9[%dma_wait3A, %dma_wait3A_75] : memref<10240x64xf32, #tpu.memory_space<vmem_shared>> -> memref<400x64xf32, #tpu.memory_space<vmem_shared>>
        %dma_wait3A_77 = arith.constant 9600 : i32
        %dma_wait3A_78 = arith.constant 0 : i32
        %dma_wait3A_79 = tpu.memref_slice %arg2[%arg0, %dma_wait3A_77, %dma_wait3A_78] : memref<2x10000x64xf32, #tpu.memory_space<hbm>> -> memref<1x400x64xf32, #tpu.memory_space<hbm>>
        %dma_wait3A_80 = tpu.memref_squeeze %dma_wait3A_79 : memref<1x400x64xf32, #tpu.memory_space<hbm>> -> memref<400x64xf32, #tpu.memory_space<hbm>>
        tpu.wait_dma2 semaphore(%run_scoped3A : memref<!tpu.dma_semaphore, #tpu.memory_space<semaphore_mem>>) src(%dma_wait3A_80 : memref<400x64xf32, #tpu.memory_space<hbm>>) dst(%dma_wait3A_76 : memref<400x64xf32, #tpu.memory_space<vmem_shared>>)
        tpu.yield
      }) : () -> ()
    } else {
    }
    %barrier3A = arith.constant 0 : index
    tpu.barrier barrier_id(%barrier3A)
    %dma_start3A = arith.constant 0 : i32
    %dma_start3A_6 = arith.constant 0 : i32
    %dma_start3A_7 = arith.constant 0 : i32
    %dma_start3A_8 = arith.constant 0 : i32
    %dma_start3A_9 = tpu.memref_slice %arg8[%dma_start3A_6, %dma_start3A_7, %dma_start3A_8] : memref<5x128x64xf32, #tpu.memory_space<vmem>> -> memref<1x128x64xf32, #tpu.memory_space<vmem>>
    %dma_start3A_10 = tpu.memref_squeeze %dma_start3A_9 : memref<1x128x64xf32, #tpu.memory_space<vmem>> -> memref<128x64xf32, #tpu.memory_space<vmem>>
    %dma_start3A_11 = arith.constant 0 : i32
    %dma_start3A_12 = tpu.memref_slice %arg6[%dma_start3A, %dma_start3A_11] : memref<158x128xi32, #tpu.memory_space<vmem>> -> memref<1x128xi32, #tpu.memory_space<vmem>>
    %dma_start3A_13 = tpu.memref_squeeze %dma_start3A_12 : memref<1x128xi32, #tpu.memory_space<vmem>> -> memref<128xi32, #tpu.memory_space<vmem>>
    %dma_start3A_14 = arith.constant 0 : i32
    %dma_start3A_15 = arith.constant 0 : i32
    %dma_start3A_16 = tpu.memref_slice %arg2[%arg0, %dma_start3A_14, %dma_start3A_15] : memref<2x10000x64xf32, #tpu.memory_space<hbm>> -> memref<1x10000x64xf32, #tpu.memory_space<hbm>>
    %dma_start3A_17 = tpu.memref_squeeze %dma_start3A_16 : memref<1x10000x64xf32, #tpu.memory_space<hbm>> -> memref<10000x64xf32, #tpu.memory_space<hbm>>
    %dma_start3A_18 = arith.constant 0 : i32
    %dma_start3A_19 = arith.constant 0 : i32
    %dma_start3A_20 = tpu.memref_slice %dma_start3A_17[%dma_start3A_18, %dma_start3A_19] : memref<10000x64xf32, #tpu.memory_space<hbm>> -> memref<10000x64xf32, #tpu.memory_space<hbm>>
    tpu.enqueue_indirect_dma source(%dma_start3A_20 : memref<10000x64xf32, #tpu.memory_space<hbm>>) target(%dma_start3A_10 : memref<128x64xf32, #tpu.memory_space<vmem>>) offsets(%dma_start3A_13 : memref<128xi32, #tpu.memory_space<vmem>>) semaphore(%arg10 : memref<!tpu.dma_semaphore, #tpu.memory_space<semaphore_mem>>)
    %dma_start3A_21 = arith.constant 1 : i32
    %dma_start3A_22 = arith.constant 1 : i32
    %dma_start3A_23 = arith.constant 0 : i32
    %dma_start3A_24 = arith.constant 0 : i32
    %dma_start3A_25 = tpu.memref_slice %arg8[%dma_start3A_22, %dma_start3A_23, %dma_start3A_24] : memref<5x128x64xf32, #tpu.memory_space<vmem>> -> memref<1x128x64xf32, #tpu.memory_space<vmem>>
    %dma_start3A_26 = tpu.memref_squeeze %dma_start3A_25 : memref<1x128x64xf32, #tpu.memory_space<vmem>> -> memref<128x64xf32, #tpu.memory_space<vmem>>
    %dma_start3A_27 = arith.constant 0 : i32
    %dma_start3A_28 = tpu.memref_slice %arg6[%dma_start3A_21, %dma_start3A_27] : memref<158x128xi32, #tpu.memory_space<vmem>> -> memref<1x128xi32, #tpu.memory_space<vmem>>
    %dma_start3A_29 = tpu.memref_squeeze %dma_start3A_28 : memref<1x128xi32, #tpu.memory_space<vmem>> -> memref<128xi32, #tpu.memory_space<vmem>>
    %dma_start3A_30 = arith.constant 0 : i32
    %dma_start3A_31 = arith.constant 0 : i32
    %dma_start3A_32 = tpu.memref_slice %arg2[%arg0, %dma_start3A_30, %dma_start3A_31] : memref<2x10000x64xf32, #tpu.memory_space<hbm>> -> memref<1x10000x64xf32, #tpu.memory_space<hbm>>
    %dma_start3A_33 = tpu.memref_squeeze %dma_start3A_32 : memref<1x10000x64xf32, #tpu.memory_space<hbm>> -> memref<10000x64xf32, #tpu.memory_space<hbm>>
    %dma_start3A_34 = arith.constant 0 : i32
    %dma_start3A_35 = arith.constant 0 : i32
    %dma_start3A_36 = tpu.memref_slice %dma_start3A_33[%dma_start3A_34, %dma_start3A_35] : memref<10000x64xf32, #tpu.memory_space<hbm>> -> memref<10000x64xf32, #tpu.memory_space<hbm>>
    tpu.enqueue_indirect_dma source(%dma_start3A_36 : memref<10000x64xf32, #tpu.memory_space<hbm>>) target(%dma_start3A_26 : memref<128x64xf32, #tpu.memory_space<vmem>>) offsets(%dma_start3A_29 : memref<128xi32, #tpu.memory_space<vmem>>) semaphore(%arg10 : memref<!tpu.dma_semaphore, #tpu.memory_space<semaphore_mem>>)
    %dma_start3A_37 = arith.constant 2 : i32
    %dma_start3A_38 = arith.constant 2 : i32
    %dma_start3A_39 = arith.constant 0 : i32
    %dma_start3A_40 = arith.constant 0 : i32
    %dma_start3A_41 = tpu.memref_slice %arg8[%dma_start3A_38, %dma_start3A_39, %dma_start3A_40] : memref<5x128x64xf32, #tpu.memory_space<vmem>> -> memref<1x128x64xf32, #tpu.memory_space<vmem>>
    %dma_start3A_42 = tpu.memref_squeeze %dma_start3A_41 : memref<1x128x64xf32, #tpu.memory_space<vmem>> -> memref<128x64xf32, #tpu.memory_space<vmem>>
    %dma_start3A_43 = arith.constant 0 : i32
    %dma_start3A_44 = tpu.memref_slice %arg6[%dma_start3A_37, %dma_start3A_43] : memref<158x128xi32, #tpu.memory_space<vmem>> -> memref<1x128xi32, #tpu.memory_space<vmem>>
    %dma_start3A_45 = tpu.memref_squeeze %dma_start3A_44 : memref<1x128xi32, #tpu.memory_space<vmem>> -> memref<128xi32, #tpu.memory_space<vmem>>
    %dma_start3A_46 = arith.constant 0 : i32
    %dma_start3A_47 = arith.constant 0 : i32
    %dma_start3A_48 = tpu.memref_slice %arg2[%arg0, %dma_start3A_46, %dma_start3A_47] : memref<2x10000x64xf32, #tpu.memory_space<hbm>> -> memref<1x10000x64xf32, #tpu.memory_space<hbm>>
    %dma_start3A_49 = tpu.memref_squeeze %dma_start3A_48 : memref<1x10000x64xf32, #tpu.memory_space<hbm>> -> memref<10000x64xf32, #tpu.memory_space<hbm>>
    %dma_start3A_50 = arith.constant 0 : i32
    %dma_start3A_51 = arith.constant 0 : i32
    %dma_start3A_52 = tpu.memref_slice %dma_start3A_49[%dma_start3A_50, %dma_start3A_51] : memref<10000x64xf32, #tpu.memory_space<hbm>> -> memref<10000x64xf32, #tpu.memory_space<hbm>>
    tpu.enqueue_indirect_dma source(%dma_start3A_52 : memref<10000x64xf32, #tpu.memory_space<hbm>>) target(%dma_start3A_42 : memref<128x64xf32, #tpu.memory_space<vmem>>) offsets(%dma_start3A_45 : memref<128xi32, #tpu.memory_space<vmem>>) semaphore(%arg10 : memref<!tpu.dma_semaphore, #tpu.memory_space<semaphore_mem>>)
    %scan3A = arith.constant 0 : i32
    %scan3A_53 = arith.constant 0 : i32
    %scan3A_54 = arith.constant 158 : i32
    %scan3A_55 = arith.addi %scan3A_53, %scan3A_54 : i32
    %scan3A_56 = arith.constant 1 : i32
    scf.for %scan3A_68 = %scan3A_53 to %scan3A_55 step %scan3A_56  : i32 {
      %ge3A = arith.constant 2 : i32
      %ge3A_69 = arith.cmpi sge, %scan3A_68, %ge3A : i32
      %convert_element_type3A_70 = arith.extui %ge3A_69 : i1 to i32
      %cond3A_71 = arith.constant 0 : i32
      %cond3A_72 = arith.cmpi ne, %convert_element_type3A_70, %cond3A_71 : i32
      scf.if %cond3A_72 {
        %sub3A = arith.constant 2 : i32
        %sub3A_93 = arith.subi %scan3A_68, %sub3A : i32
        %jit3A_94 = arith.constant 5 : i32
        %eq3A_95 = arith.constant 0 : i32
        %eq3A_96 = arith.cmpi eq, %jit3A_94, %eq3A_95 : i32
        %jit3A_97 = arith.constant 1 : i32
        %select_n3A_98 = arith.select %eq3A_96, %jit3A_97, %jit3A_94 : i32
        %rem3A_99 = arith.remsi %sub3A_93, %select_n3A_98 : i32
        %ne3A_100 = arith.constant 0 : i32
        %ne3A_101 = arith.cmpi ne, %rem3A_99, %ne3A_100 : i32
        %lt3A_102 = arith.constant 0 : i32
        %lt3A_103 = arith.cmpi slt, %rem3A_99, %lt3A_102 : i32
        %lt3A_104 = arith.constant 0 : i32
        %lt3A_105 = arith.cmpi slt, %select_n3A_98, %lt3A_104 : i32
        %ne3A_106 = arith.xori %lt3A_103, %lt3A_105 : i1
        %and3A_107 = arith.andi %ne3A_106, %ne3A_101 : i1
        %add3A_108 = arith.addi %rem3A_99, %select_n3A_98 : i32
        %select_n3A_109 = arith.select %and3A_107, %add3A_108, %rem3A_99 : i32
        %sub3A_110 = arith.constant 2 : i32
        %sub3A_111 = arith.subi %scan3A_68, %sub3A_110 : i32
        %dma_wait3A = arith.constant 0 : i32
        %dma_wait3A_112 = arith.constant 0 : i32
        %dma_wait3A_113 = tpu.memref_slice %arg8[%select_n3A_109, %dma_wait3A, %dma_wait3A_112] : memref<5x128x64xf32, #tpu.memory_space<vmem>> -> memref<1x128x64xf32, #tpu.memory_space<vmem>>
        %dma_wait3A_114 = tpu.memref_squeeze %dma_wait3A_113 : memref<1x128x64xf32, #tpu.memory_space<vmem>> -> memref<128x64xf32, #tpu.memory_space<vmem>>
        %dma_wait3A_115 = arith.constant 0 : i32
        %dma_wait3A_116 = tpu.memref_slice %arg7[%sub3A_111, %dma_wait3A_115] : memref<158x128xi32, #tpu.memory_space<vmem>> -> memref<1x128xi32, #tpu.memory_space<vmem>>
        %dma_wait3A_117 = tpu.memref_squeeze %dma_wait3A_116 : memref<1x128xi32, #tpu.memory_space<vmem>> -> memref<128xi32, #tpu.memory_space<vmem>>
        %dma_wait3A_118 = arith.constant 0 : i32
        %dma_wait3A_119 = arith.constant 0 : i32
        %dma_wait3A_120 = tpu.memref_slice %arg9[%dma_wait3A_118, %dma_wait3A_119] : memref<10240x64xf32, #tpu.memory_space<vmem_shared>> -> memref<10240x64xf32, #tpu.memory_space<vmem_shared>>
        tpu.wait_indirect_dma semaphore(%arg11 : memref<!tpu.dma_semaphore, #tpu.memory_space<semaphore_mem>>) src(%dma_wait3A_114 : memref<128x64xf32, #tpu.memory_space<vmem>>) dst(%dma_wait3A_120 : memref<10240x64xf32, #tpu.memory_space<vmem_shared>>)
      } else {
      }
      %jit3A = arith.constant 5 : i32
      %eq3A_73 = arith.constant 0 : i32
      %eq3A_74 = arith.cmpi eq, %jit3A, %eq3A_73 : i32
      %jit3A_75 = arith.constant 1 : i32
      %select_n3A = arith.select %eq3A_74, %jit3A_75, %jit3A : i32
      %rem3A = arith.remsi %scan3A_68, %select_n3A : i32
      %ne3A = arith.constant 0 : i32
      %ne3A_76 = arith.cmpi ne, %rem3A, %ne3A : i32
      %lt3A_77 = arith.constant 0 : i32
      %lt3A_78 = arith.cmpi slt, %rem3A, %lt3A_77 : i32
      %lt3A_79 = arith.constant 0 : i32
      %lt3A_80 = arith.cmpi slt, %select_n3A, %lt3A_79 : i32
      %ne3A_81 = arith.xori %lt3A_78, %lt3A_80 : i1
      %and3A = arith.andi %ne3A_81, %ne3A_76 : i1
      %add3A = arith.addi %rem3A, %select_n3A : i32
      %select_n3A_82 = arith.select %and3A, %add3A, %rem3A : i32
      %dma_start3A_83 = arith.constant 0 : i32
      %dma_start3A_84 = arith.constant 0 : i32
      %dma_start3A_85 = tpu.memref_slice %arg8[%select_n3A_82, %dma_start3A_83, %dma_start3A_84] : memref<5x128x64xf32, #tpu.memory_space<vmem>> -> memref<1x128x64xf32, #tpu.memory_space<vmem>>
      %dma_start3A_86 = tpu.memref_squeeze %dma_start3A_85 : memref<1x128x64xf32, #tpu.memory_space<vmem>> -> memref<128x64xf32, #tpu.memory_space<vmem>>
      %dma_start3A_87 = arith.constant 0 : i32
      %dma_start3A_88 = tpu.memref_slice %arg7[%scan3A_68, %dma_start3A_87] : memref<158x128xi32, #tpu.memory_space<vmem>> -> memref<1x128xi32, #tpu.memory_space<vmem>>
      %dma_start3A_89 = tpu.memref_squeeze %dma_start3A_88 : memref<1x128xi32, #tpu.memory_space<vmem>> -> memref<128xi32, #tpu.memory_space<vmem>>
      %dma_start3A_90 = arith.constant 0 : i32
      %dma_start3A_91 = arith.constant 0 : i32
      %dma_start3A_92 = tpu.memref_slice %arg9[%dma_start3A_90, %dma_start3A_91] : memref<10240x64xf32, #tpu.memory_space<vmem_shared>> -> memref<10240x64xf32, #tpu.memory_space<vmem_shared>>
      tpu.enqueue_indirect_dma source(%dma_start3A_86 : memref<128x64xf32, #tpu.memory_space<vmem>>) target(%dma_start3A_92 : memref<10240x64xf32, #tpu.memory_space<vmem_shared>>) offsets(%dma_start3A_89 : memref<128xi32, #tpu.memory_space<vmem>>) semaphore(%arg11 : memref<!tpu.dma_semaphore, #tpu.memory_space<semaphore_mem>>) {add = true}
    }
    %scan3A_57 = arith.constant 158 : i32
    %scan3A_58 = arith.constant 0 : i32
    %scan3A_59 = arith.constant 156 : i32
    %scan3A_60 = arith.constant 2 : i32
    %scan3A_61 = arith.addi %scan3A_59, %scan3A_60 : i32
    %scan3A_62 = arith.constant 1 : i32
    scf.for %scan3A_68 = %scan3A_59 to %scan3A_61 step %scan3A_62  : i32 {
      %jit3A = arith.constant 5 : i32
      %eq3A_69 = arith.constant 0 : i32
      %eq3A_70 = arith.cmpi eq, %jit3A, %eq3A_69 : i32
      %jit3A_71 = arith.constant 1 : i32
      %select_n3A = arith.select %eq3A_70, %jit3A_71, %jit3A : i32
      %rem3A = arith.remsi %scan3A_68, %select_n3A : i32
      %ne3A = arith.constant 0 : i32
      %ne3A_72 = arith.cmpi ne, %rem3A, %ne3A : i32
      %lt3A_73 = arith.constant 0 : i32
      %lt3A_74 = arith.cmpi slt, %rem3A, %lt3A_73 : i32
      %lt3A_75 = arith.constant 0 : i32
      %lt3A_76 = arith.cmpi slt, %select_n3A, %lt3A_75 : i32
      %ne3A_77 = arith.xori %lt3A_74, %lt3A_76 : i1
      %and3A = arith.andi %ne3A_77, %ne3A_72 : i1
      %add3A = arith.addi %rem3A, %select_n3A : i32
      %select_n3A_78 = arith.select %and3A, %add3A, %rem3A : i32
      %dma_wait3A = arith.constant 0 : i32
      %dma_wait3A_79 = arith.constant 0 : i32
      %dma_wait3A_80 = tpu.memref_slice %arg8[%select_n3A_78, %dma_wait3A, %dma_wait3A_79] : memref<5x128x64xf32, #tpu.memory_space<vmem>> -> memref<1x128x64xf32, #tpu.memory_space<vmem>>
      %dma_wait3A_81 = tpu.memref_squeeze %dma_wait3A_80 : memref<1x128x64xf32, #tpu.memory_space<vmem>> -> memref<128x64xf32, #tpu.memory_space<vmem>>
      %dma_wait3A_82 = arith.constant 0 : i32
      %dma_wait3A_83 = tpu.memref_slice %arg7[%scan3A_68, %dma_wait3A_82] : memref<158x128xi32, #tpu.memory_space<vmem>> -> memref<1x128xi32, #tpu.memory_space<vmem>>
      %dma_wait3A_84 = tpu.memref_squeeze %dma_wait3A_83 : memref<1x128xi32, #tpu.memory_space<vmem>> -> memref<128xi32, #tpu.memory_space<vmem>>
      %dma_wait3A_85 = arith.constant 0 : i32
      %dma_wait3A_86 = arith.constant 0 : i32
      %dma_wait3A_87 = tpu.memref_slice %arg9[%dma_wait3A_85, %dma_wait3A_86] : memref<10240x64xf32, #tpu.memory_space<vmem_shared>> -> memref<10240x64xf32, #tpu.memory_space<vmem_shared>>
      tpu.wait_indirect_dma semaphore(%arg11 : memref<!tpu.dma_semaphore, #tpu.memory_space<semaphore_mem>>) src(%dma_wait3A_81 : memref<128x64xf32, #tpu.memory_space<vmem>>) dst(%dma_wait3A_87 : memref<10240x64xf32, #tpu.memory_space<vmem_shared>>)
    }
    %scan3A_63 = arith.constant 2 : i32
    %barrier3A_64 = arith.constant 0 : index
    tpu.barrier barrier_id(%barrier3A_64)
    %mul3A = arith.constant 640 : i32
    %mul3A_65 = arith.muli %arg1, %mul3A : i32
    %mul3A_66 = arith.constant 640 : i32
    %mul3A_67 = arith.muli %arg1, %mul3A_66 : i32
    "tpu.region"() ({
      %run_scoped3A = tpu.sem_alloc : memref<!tpu.dma_semaphore, #tpu.memory_space<semaphore_mem>>
      %dma_start3A_68 = arith.constant 0 : i32
      %dma_start3A_69 = tpu.memref_slice %arg5[%arg0, %mul3A_67, %dma_start3A_68] : memref<2x10240x64xf32, #tpu.memory_space<hbm>> -> memref<1x640x64xf32, #tpu.memory_space<hbm>>
      %dma_start3A_70 = tpu.memref_squeeze %dma_start3A_69 : memref<1x640x64xf32, #tpu.memory_space<hbm>> -> memref<640x64xf32, #tpu.memory_space<hbm>>
      %dma_start3A_71 = arith.constant 0 : i32
      %dma_start3A_72 = tpu.memref_slice %arg9[%mul3A_65, %dma_start3A_71] : memref<10240x64xf32, #tpu.memory_space<vmem_shared>> -> memref<640x64xf32, #tpu.memory_space<vmem_shared>>
      tpu.enqueue_dma source(%dma_start3A_72 : memref<640x64xf32, #tpu.memory_space<vmem_shared>>) target(%dma_start3A_70 : memref<640x64xf32, #tpu.memory_space<hbm>>) target_semaphore(%run_scoped3A : memref<!tpu.dma_semaphore, #tpu.memory_space<semaphore_mem>>)
      %dma_wait3A = arith.constant 0 : i32
      %dma_wait3A_73 = tpu.memref_slice %arg5[%arg0, %mul3A_67, %dma_wait3A] : memref<2x10240x64xf32, #tpu.memory_space<hbm>> -> memref<1x640x64xf32, #tpu.memory_space<hbm>>
      %dma_wait3A_74 = tpu.memref_squeeze %dma_wait3A_73 : memref<1x640x64xf32, #tpu.memory_space<hbm>> -> memref<640x64xf32, #tpu.memory_space<hbm>>
      %dma_wait3A_75 = arith.constant 0 : i32
      %dma_wait3A_76 = tpu.memref_slice %arg9[%mul3A_65, %dma_wait3A_75] : memref<10240x64xf32, #tpu.memory_space<vmem_shared>> -> memref<640x64xf32, #tpu.memory_space<vmem_shared>>
      tpu.wait_dma2 semaphore(%run_scoped3A : memref<!tpu.dma_semaphore, #tpu.memory_space<semaphore_mem>>) src(%dma_wait3A_76 : memref<640x64xf32, #tpu.memory_space<vmem_shared>>) dst(%dma_wait3A_74 : memref<640x64xf32, #tpu.memory_space<hbm>>)
      tpu.yield
    }) : () -> ()
    return
  }
}

#map = affine_map<(d0, d1) -> (0, 0)>
#map1 = affine_map<(d0, d1) -> (0, 0, 0)>
module attributes {stable_mosaic.version = 14 : i64} {
  func.func @_count_body(%arg0: i32, %arg1: i32, %arg2: memref<32x10112xi32, #tpu.memory_space<hbm>>, %arg3: memref<2x16x10240xf32, #tpu.memory_space<hbm>>, %arg4: memref<10112xi32, #tpu.memory_space<vmem>>, %arg5: memref<10240xf32, #tpu.memory_space<vmem>>) attributes {dimension_semantics = [#tpu.dimension_semantics<core_parallel>, #tpu.dimension_semantics<subcore_parallel>], iteration_bounds = array<i64: 2, 16>, scalar_prefetch = 0 : i64, scratch_operands = 2 : i64, tpu.core_type = #tpu.core_type<sc_vector_subcore>, window_params = [{transform_indices = #map}, {transform_indices = #map1}]} {
    %mul3A = arith.constant 16 : i32
    %mul3A_0 = arith.muli %arg0, %mul3A : i32
    %add3A = arith.addi %mul3A_0, %arg1 : i32
    "tpu.region"() ({
      %run_scoped3A = tpu.sem_alloc : memref<!tpu.dma_semaphore, #tpu.memory_space<semaphore_mem>>
      %dma_start3A = arith.constant 0 : i32
      %dma_start3A_15 = tpu.memref_slice %arg2[%add3A, %dma_start3A] : memref<32x10112xi32, #tpu.memory_space<hbm>> -> memref<1x10112xi32, #tpu.memory_space<hbm>>
      %dma_start3A_16 = tpu.memref_squeeze %dma_start3A_15 : memref<1x10112xi32, #tpu.memory_space<hbm>> -> memref<10112xi32, #tpu.memory_space<hbm>>
      %dma_start3A_17 = arith.constant 0 : i32
      %dma_start3A_18 = tpu.memref_slice %arg2[%add3A, %dma_start3A_17] : memref<32x10112xi32, #tpu.memory_space<hbm>> -> memref<1x10112xi32, #tpu.memory_space<hbm>>
      %dma_start3A_19 = tpu.memref_squeeze %dma_start3A_18 : memref<1x10112xi32, #tpu.memory_space<hbm>> -> memref<10112xi32, #tpu.memory_space<hbm>>
      tpu.enqueue_dma source(%dma_start3A_19 : memref<10112xi32, #tpu.memory_space<hbm>>) target(%arg4 : memref<10112xi32, #tpu.memory_space<vmem>>) target_semaphore(%run_scoped3A : memref<!tpu.dma_semaphore, #tpu.memory_space<semaphore_mem>>)
      %dma_wait3A = arith.constant 0 : i32
      %dma_wait3A_20 = tpu.memref_slice %arg2[%add3A, %dma_wait3A] : memref<32x10112xi32, #tpu.memory_space<hbm>> -> memref<1x10112xi32, #tpu.memory_space<hbm>>
      %dma_wait3A_21 = tpu.memref_squeeze %dma_wait3A_20 : memref<1x10112xi32, #tpu.memory_space<hbm>> -> memref<10112xi32, #tpu.memory_space<hbm>>
      %dma_wait3A_22 = arith.constant 0 : i32
      %dma_wait3A_23 = tpu.memref_slice %arg2[%add3A, %dma_wait3A_22] : memref<32x10112xi32, #tpu.memory_space<hbm>> -> memref<1x10112xi32, #tpu.memory_space<hbm>>
      %dma_wait3A_24 = tpu.memref_squeeze %dma_wait3A_23 : memref<1x10112xi32, #tpu.memory_space<hbm>> -> memref<10112xi32, #tpu.memory_space<hbm>>
      tpu.wait_dma2 semaphore(%run_scoped3A : memref<!tpu.dma_semaphore, #tpu.memory_space<semaphore_mem>>) src(%dma_wait3A_24 : memref<10112xi32, #tpu.memory_space<hbm>>) dst(%arg4 : memref<10112xi32, #tpu.memory_space<vmem>>)
      tpu.yield
    }) : () -> ()
    %broadcast_in_dim3A = arith.constant 0.000000e+00 : f32
    %broadcast_in_dim3A_1 = vector.broadcast %broadcast_in_dim3A : f32 to vector<16xf32>
    %broadcast_in_dim3A_2 = arith.constant 1.000000e+00 : f32
    %broadcast_in_dim3A_3 = vector.broadcast %broadcast_in_dim3A_2 : f32 to vector<16xf32>
    %scan3A = arith.constant 0 : i32
    %scan3A_4 = arith.constant 0 : i32
    %scan3A_5 = arith.constant 640 : i32
    %scan3A_6 = arith.addi %scan3A_4, %scan3A_5 : i32
    %scan3A_7 = arith.constant 1 : i32
    scf.for %scan3A_15 = %scan3A_4 to %scan3A_6 step %scan3A_7  : i32 {
      %mul3A_16 = arith.constant 16 : i32
      %mul3A_17 = arith.muli %scan3A_15, %mul3A_16 : i32
      %swap3A = arith.index_cast %mul3A_17 : i32 to index
      %swap3A_18 = tpu.vector_load %arg5[%swap3A] {strides = array<i32>} : memref<10240xf32, #tpu.memory_space<vmem>>, vector<16xf32>,
      tpu.vector_store %arg5[%swap3A], %broadcast_in_dim3A_1 {strides = array<i32>} : memref<10240xf32, #tpu.memory_space<vmem>>, vector<16xf32>,
    }
    %scan3A_8 = arith.constant 640 : i32
    %scan3A_9 = arith.constant 0 : i32
    %scan3A_10 = arith.constant 0 : i32
    %scan3A_11 = arith.constant 632 : i32
    %scan3A_12 = arith.addi %scan3A_10, %scan3A_11 : i32
    %scan3A_13 = arith.constant 1 : i32
    scf.for %scan3A_15 = %scan3A_10 to %scan3A_12 step %scan3A_13  : i32 {
      %mul3A_16 = arith.constant 16 : i32
      %mul3A_17 = arith.muli %scan3A_15, %mul3A_16 : i32
      %get3A = arith.index_cast %mul3A_17 : i32 to index
      %get3A_18 = tpu.vector_load %arg4[%get3A] {strides = array<i32>} : memref<10112xi32, #tpu.memory_space<vmem>>, vector<16xi32>,
      tpu.vector_store_idx %arg5[%get3A_18], %broadcast_in_dim3A_3 {add = true} : memref<10240xf32, #tpu.memory_space<vmem>>[vector<16xi32>], vector<16xf32>,
    }
    %scan3A_14 = arith.constant 632 : i32
    "tpu.region"() ({
      %run_scoped3A = tpu.sem_alloc : memref<!tpu.dma_semaphore, #tpu.memory_space<semaphore_mem>>
      %dma_start3A = arith.constant 0 : i32
      %dma_start3A_15 = tpu.memref_slice %arg3[%arg0, %arg1, %dma_start3A] : memref<2x16x10240xf32, #tpu.memory_space<hbm>> -> memref<1x1x10240xf32, #tpu.memory_space<hbm>>
      %dma_start3A_16 = tpu.memref_squeeze %dma_start3A_15 : memref<1x1x10240xf32, #tpu.memory_space<hbm>> -> memref<10240xf32, #tpu.memory_space<hbm>>
      %dma_start3A_17 = arith.constant 0 : i32
      %dma_start3A_18 = tpu.memref_slice %arg3[%arg0, %arg1, %dma_start3A_17] : memref<2x16x10240xf32, #tpu.memory_space<hbm>> -> memref<1x1x10240xf32, #tpu.memory_space<hbm>>
      %dma_start3A_19 = tpu.memref_squeeze %dma_start3A_18 : memref<1x1x10240xf32, #tpu.memory_space<hbm>> -> memref<10240xf32, #tpu.memory_space<hbm>>
      tpu.enqueue_dma source(%arg5 : memref<10240xf32, #tpu.memory_space<vmem>>) target(%dma_start3A_19 : memref<10240xf32, #tpu.memory_space<hbm>>) target_semaphore(%run_scoped3A : memref<!tpu.dma_semaphore, #tpu.memory_space<semaphore_mem>>)
      %dma_wait3A = arith.constant 0 : i32
      %dma_wait3A_20 = tpu.memref_slice %arg3[%arg0, %arg1, %dma_wait3A] : memref<2x16x10240xf32, #tpu.memory_space<hbm>> -> memref<1x1x10240xf32, #tpu.memory_space<hbm>>
      %dma_wait3A_21 = tpu.memref_squeeze %dma_wait3A_20 : memref<1x1x10240xf32, #tpu.memory_space<hbm>> -> memref<10240xf32, #tpu.memory_space<hbm>>
      %dma_wait3A_22 = arith.constant 0 : i32
      %dma_wait3A_23 = tpu.memref_slice %arg3[%arg0, %arg1, %dma_wait3A_22] : memref<2x16x10240xf32, #tpu.memory_space<hbm>> -> memref<1x1x10240xf32, #tpu.memory_space<hbm>>
      %dma_wait3A_24 = tpu.memref_squeeze %dma_wait3A_23 : memref<1x1x10240xf32, #tpu.memory_space<hbm>> -> memref<10240xf32, #tpu.memory_space<hbm>>
      tpu.wait_dma2 semaphore(%run_scoped3A : memref<!tpu.dma_semaphore, #tpu.memory_space<semaphore_mem>>) src(%arg5 : memref<10240xf32, #tpu.memory_space<vmem>>) dst(%dma_wait3A_24 : memref<10240xf32, #tpu.memory_space<hbm>>)
      tpu.yield
    }) : () -> ()
    return
  }
}

module attributes {stable_mosaic.version = 14 : i64} {
  func.func @_g_body(%arg0: i32, %arg1: memref<2000x128xf32, #tpu.memory_space<vmem>>, %arg2: memref<128x128xf32, #tpu.memory_space<vmem>>, %arg3: memref<2000x32xf32, #tpu.memory_space<vmem>>, %arg4: memref<2x2000x64xf32, #tpu.memory_space<vmem>>) attributes {dimension_semantics = [#tpu.dimension_semantics<arbitrary>], iteration_bounds = array<i64: 5>, scalar_prefetch = 0 : i64, scratch_operands = 0 : i64, tpu.core_type = #tpu.core_type<tc>, window_params = [{transform_indices = @transform_0, window_bounds = array<i64: 2000, 128>}, {pipeline_mode = #tpu.pipeline_mode<synchronous>, transform_indices = @transform_1, window_bounds = array<i64: 128, 128>}, {transform_indices = @transform_2, window_bounds = array<i64: 2000, 32>}, {transform_indices = @transform_3, window_bounds = array<i64: 2, 2000, 64>}]} {
    %get3A = arith.constant 0 : index
    %get3A_0 = arith.constant 0 : index
    %get3A_1 = vector.load %arg3[%get3A, %get3A_0] : memref<2000x32xf32, #tpu.memory_space<vmem>>, vector<2000x32xf32>
    %reduce_sum3A = arith.constant dense<0.000000e+00> : vector<2000xf32>
    %reduce_sum3A_2 = vector.multi_reduction <add>, %get3A_1, %reduce_sum3A [1] : vector<2000x32xf32> to vector<2000xf32>
    %add3A = arith.constant 1.000000e+00 : f32
    %add3A_3 = vector.broadcast %add3A : f32 to vector<2000xf32>
    %add3A_4 = arith.addf %add3A_3, %reduce_sum3A_2 : vector<2000xf32>
    %rsqrt3A = math.rsqrt %add3A_4 : vector<2000xf32>
    %get3A_5 = arith.constant 0 : index
    %get3A_6 = arith.constant 0 : index
    %get3A_7 = vector.load %arg1[%get3A_5, %get3A_6] : memref<2000x128xf32, #tpu.memory_space<vmem>>, vector<2000x128xf32>
    %get3A_8 = arith.constant 0 : index
    %get3A_9 = arith.constant 0 : index
    %get3A_10 = vector.load %arg2[%get3A_8, %get3A_9] : memref<128x128xf32, #tpu.memory_space<vmem>>, vector<128x128xf32>
    %dot_general3A = arith.constant dense<0.000000e+00> : vector<2000x128xf32>
    %dot_general3A_11 = tpu.matmul %get3A_7, %get3A_10, %dot_general3A {dimension_numbers = #tpu.dot_dimension_numbers<[1], [0], [0], [1], [0, 0, 1, 1], [], []>, transpose_lhs_hint = false} : vector<2000x128xf32>, vector<128x128xf32>, vector<2000x128xf32> -> vector<2000x128xf32>
    %broadcast_in_dim3A = vector.shape_cast %rsqrt3A : vector<2000xf32> to vector<2000x1xf32>
    %mul3A = vector.broadcast %broadcast_in_dim3A : vector<2000x1xf32> to vector<2000x128xf32>
    %mul3A_12 = arith.mulf %dot_general3A_11, %mul3A : vector<2000x128xf32>
    %slice3A = vector.extract_strided_slice %mul3A_12 {offsets = [0, 0], sizes = [2000, 64], strides = [1, 1]} : vector<2000x128xf32> to vector<2000x64xf32>
    %swap3A = arith.constant 0 : index
    %swap3A_13 = arith.constant 0 : index
    %swap3A_14 = arith.constant 0 : index
    %swap3A_15 = vector.load %arg4[%swap3A, %swap3A_13, %swap3A_14] : memref<2x2000x64xf32, #tpu.memory_space<vmem>>, vector<1x2000x64xf32>
    %swap3A_16 = vector.shape_cast %swap3A_15 : vector<1x2000x64xf32> to vector<2000x64xf32>
    %swap3A_17 = vector.shape_cast %slice3A : vector<2000x64xf32> to vector<1x2000x64xf32>
    tpu.vector_store %arg4[%swap3A, %swap3A_13, %swap3A_14], %swap3A_17 {strides = array<i32>} : memref<2x2000x64xf32, #tpu.memory_space<vmem>>, vector<1x2000x64xf32>,
    %slice3A_18 = vector.extract_strided_slice %mul3A_12 {offsets = [0, 64], sizes = [2000, 64], strides = [1, 1]} : vector<2000x128xf32> to vector<2000x64xf32>
    %swap3A_19 = arith.constant 1 : index
    %swap3A_20 = arith.constant 0 : index
    %swap3A_21 = arith.constant 0 : index
    %swap3A_22 = vector.load %arg4[%swap3A_19, %swap3A_20, %swap3A_21] : memref<2x2000x64xf32, #tpu.memory_space<vmem>>, vector<1x2000x64xf32>
    %swap3A_23 = vector.shape_cast %swap3A_22 : vector<1x2000x64xf32> to vector<2000x64xf32>
    %swap3A_24 = vector.shape_cast %slice3A_18 : vector<2000x64xf32> to vector<1x2000x64xf32>
    tpu.vector_store %arg4[%swap3A_19, %swap3A_20, %swap3A_21], %swap3A_24 {strides = array<i32>} : memref<2x2000x64xf32, #tpu.memory_space<vmem>>, vector<1x2000x64xf32>,
    return
  }
  func.func @transform_0(%arg0: i32) -> (i32, i32) {
    %c0_i32 = arith.constant 0 : i32
    %c0_i32_0 = arith.constant 0 : i32
    return %arg0, %c0_i32 : i32, i32
  }
  func.func @transform_1(%arg0: i32) -> (i32, i32) {
    %c0_i32 = arith.constant 0 : i32
    %c0_i32_0 = arith.constant 0 : i32
    %c0_i32_1 = arith.constant 0 : i32
    return %c0_i32, %c0_i32_0 : i32, i32
  }
  func.func @transform_2(%arg0: i32) -> (i32, i32) {
    %c0_i32 = arith.constant 0 : i32
    %c0_i32_0 = arith.constant 0 : i32
    return %arg0, %c0_i32 : i32, i32
  }
  func.func @transform_3(%arg0: i32) -> (i32, i32, i32) {
    %c0_i32 = arith.constant 0 : i32
    %c0_i32_0 = arith.constant 0 : i32
    %c0_i32_1 = arith.constant 0 : i32
    return %c0_i32, %arg0, %c0_i32_0 : i32, i32, i32
  }
}

module attributes {stable_mosaic.version = 14 : i64} {
  func.func @_out_body(%arg0: i32, %arg1: memref<2x2000x64xf32, #tpu.memory_space<vmem>>, %arg2: memref<2000x32xf32, #tpu.memory_space<vmem>>, %arg3: memref<1x128xf32, #tpu.memory_space<vmem>>, %arg4: memref<2000x128xf32, #tpu.memory_space<vmem>>) attributes {dimension_semantics = [#tpu.dimension_semantics<arbitrary>], iteration_bounds = array<i64: 5>, scalar_prefetch = 0 : i64, scratch_operands = 0 : i64, tpu.core_type = #tpu.core_type<tc>, window_params = [{transform_indices = @transform_0, window_bounds = array<i64: 2, 2000, 64>}, {transform_indices = @transform_1, window_bounds = array<i64: 2000, 32>}, {pipeline_mode = #tpu.pipeline_mode<synchronous>, transform_indices = @transform_2, window_bounds = array<i64: 1, 128>}, {transform_indices = @transform_3, window_bounds = array<i64: 2000, 128>}]} {
    %get3A = arith.constant 0 : index
    %get3A_0 = arith.constant 0 : index
    %get3A_1 = vector.load %arg2[%get3A, %get3A_0] : memref<2000x32xf32, #tpu.memory_space<vmem>>, vector<2000x32xf32>
    %reduce_sum3A = arith.constant dense<0.000000e+00> : vector<2000xf32>
    %reduce_sum3A_2 = vector.multi_reduction <add>, %get3A_1, %reduce_sum3A [1] : vector<2000x32xf32> to vector<2000xf32>
    %add3A = arith.constant 1.000000e+00 : f32
    %add3A_3 = vector.broadcast %add3A : f32 to vector<2000xf32>
    %add3A_4 = arith.addf %add3A_3, %reduce_sum3A_2 : vector<2000xf32>
    %rsqrt3A = math.rsqrt %add3A_4 : vector<2000xf32>
    %get3A_5 = arith.constant 0 : index
    %get3A_6 = arith.constant 0 : index
    %get3A_7 = arith.constant 0 : index
    %get3A_8 = vector.load %arg1[%get3A_5, %get3A_6, %get3A_7] : memref<2x2000x64xf32, #tpu.memory_space<vmem>>, vector<1x2000x64xf32>
    %get3A_9 = vector.shape_cast %get3A_8 : vector<1x2000x64xf32> to vector<2000x64xf32>
    %get3A_10 = arith.constant 1 : index
    %get3A_11 = arith.constant 0 : index
    %get3A_12 = arith.constant 0 : index
    %get3A_13 = vector.load %arg1[%get3A_10, %get3A_11, %get3A_12] : memref<2x2000x64xf32, #tpu.memory_space<vmem>>, vector<1x2000x64xf32>
    %get3A_14 = vector.shape_cast %get3A_13 : vector<1x2000x64xf32> to vector<2000x64xf32>
    %concatenate3A = tpu.concatenate %get3A_9, %get3A_14 in 1 : vector<2000x64xf32>, vector<2000x64xf32> -> vector<2000x128xf32>
    %broadcast_in_dim3A = vector.shape_cast %rsqrt3A : vector<2000xf32> to vector<2000x1xf32>
    %mul3A = vector.broadcast %broadcast_in_dim3A : vector<2000x1xf32> to vector<2000x128xf32>
    %mul3A_15 = arith.mulf %concatenate3A, %mul3A : vector<2000x128xf32>
    %get3A_16 = arith.constant 0 : index
    %get3A_17 = arith.constant 0 : index
    %get3A_18 = vector.load %arg3[%get3A_16, %get3A_17] : memref<1x128xf32, #tpu.memory_space<vmem>>, vector<1x128xf32>
    %add3A_19 = vector.broadcast %get3A_18 : vector<1x128xf32> to vector<2000x128xf32>
    %add3A_20 = arith.addf %mul3A_15, %add3A_19 : vector<2000x128xf32>
    %swap3A = arith.constant 0 : index
    %swap3A_21 = arith.constant 0 : index
    %swap3A_22 = vector.load %arg4[%swap3A, %swap3A_21] : memref<2000x128xf32, #tpu.memory_space<vmem>>, vector<2000x128xf32>
    tpu.vector_store %arg4[%swap3A, %swap3A_21], %add3A_20 {strides = array<i32>} : memref<2000x128xf32, #tpu.memory_space<vmem>>, vector<2000x128xf32>,
    return
  }
  func.func @transform_0(%arg0: i32) -> (i32, i32, i32) {
    %c0_i32 = arith.constant 0 : i32
    %c0_i32_0 = arith.constant 0 : i32
    %c0_i32_1 = arith.constant 0 : i32
    return %c0_i32, %arg0, %c0_i32_0 : i32, i32, i32
  }
  func.func @transform_1(%arg0: i32) -> (i32, i32) {
    %c0_i32 = arith.constant 0 : i32
    %c0_i32_0 = arith.constant 0 : i32
    return %arg0, %c0_i32 : i32, i32
  }
  func.func @transform_2(%arg0: i32) -> (i32, i32) {
    %c0_i32 = arith.constant 0 : i32
    %c0_i32_0 = arith.constant 0 : i32
    %c0_i32_1 = arith.constant 0 : i32
    return %c0_i32, %c0_i32_0 : i32, i32
  }
  func.func @transform_3(%arg0: i32) -> (i32, i32) {
    %c0_i32 = arith.constant 0 : i32
    %c0_i32_0 = arith.constant 0 : i32
    return %arg0, %c0_i32 : i32, i32
  }
}

</mosaic_0001>

<sc_bundles>
// kernel: kernel.6.cloned.1.call-start
scs
__scs_entry_jumppad:
0x0: {  	(pc) =	sbr.rel $0x88, $3  }
0x1: {  	(tag) =	ssettag $0x0;
	lr =	simm.s32 $0x1  }
0x2: {  	[smem:$0x3F9D] =	sst lr;
	_ =	strace $0xD0000000  }
0x3: {  	_ = 	snop  }
0x4: {  	_ = 	snop  }
0x5: {  	_ = 	snop  }
0x6: {  	_ = 	snop  }
0x7: {  	_ = 	snop  }
__scs_overlays_trampoline_lowered:
0x8: {  	[smem:$0x3FAC] =	sst s0  }
0x9: {  	[smem:$0x3FAD] =	sst s1  }
0xa: {  	[smem:$0x3FAE] =	sst s2  }
0xb: {  	[smem:$0x3FAF] =	sst s3  }
0xc: {  	[smem:$0x3FB0] =	sst s4  }
0xd: {  	[smem:$0x3FB1] =	sst s5  }
0xe: {  	[smem:$0x3FB2] =	sst s6  }
0xf: {  	[smem:$0x3FB3] =	sst s7  }
0x10: {  	[smem:$0x3FB4] =	sst s8  }
0x11: {  	[smem:$0x3FB5] =	sst s9;
	s0 =	simm.s32 @!p0 $0x0  }
0x12: {  	s1 =	sld [smem:$0x3F9B];
	s0 =	simm.s32 @p0 $0x1  }
0x13: {  	[smem:$0x3FB6] =	sst s0;
	s0 =	simm.s32 @!p1 $0x0  }
0x14: {  	s2 =	sld [smem:$0x3F9A];
	s0 =	simm.s32 @p1 $0x1  }
0x15: {  	[smem:$0x3FB7] =	sst s0;
	s0 =	simm.s32 @!p2 $0x0  }
0x16: {  	s3 =	sld [smem:$0x3FDB];
	s0 =	simm.s32 @p2 $0x1  }
0x17: {  	s4 =	simm.s32 $0x1BF5;
	[smem:$0x3FB9] =	sst s0  }
0x18: {  	s0 =	sld [smem:$0x3F9C];
	_ =	swait.ge [sflag:s4], $0x0  }
0x19: {  	s7 =	sld [smem:$0x3F9D]  }
0x1a: {  	s8 =	sadd.s32 $0xFFFFE003, lr  }
0x1b: {  	s9 =	sadd.s32 $0xFFFFFEF7, lr;
	s5 =	simm.s32 $0xFFFFFFFF;
	p2 =	slt.u32 s8, $0xFFFFF086  }
0x1c: {  	p1 =	slt.u32 s9, $0xF7A;
	s5 =	simm.s32 @!p2 $0x0  }
0x1d: {  	s5 =	simm.s32 @p1 $0x1;
	p0 =	seq.s32 s7, s2  }
0x1e: {  	s7 =	smul.u32 @!p0 $0xF7A, s2;
	p2 =	seq.s32 @!p0 s5, $0x0  }
0x1f: {  	s9 =	smul.u32 $0xF7A, s1;
	s8 =	simm.s32 @!p0 $0x1BF5;
	p2 =	por !p2, p0  }
0x20: {  	[sflag:s8] =	ssyncset.s32 @!p0 $0xFFFFF086;
	s6 =	sadd.s32 @!p0 s3, s7;
	s7 =	simm.s32 @!p0 $0x108  }
0x21: {  	s3 =	sadd.s32 s3, s9;
	s6 =	sadd.s32 @!p0 $0x88, s6;
	s7 =	simm.s32 @p2 $0x1082  }
0x22: {  	[simem:s7], [sflag:s8] =	dma.local @!p0 [hbm:s6], $0xF7A  }
0x23: {  	s9 =	sor.u32 $0xD0000000, s2;
	s6 =	simm.s32 $0x108;
	_ =	swait.ge @!p0 [sflag:s8], $0x0  }
0x24: {  	s3 =	sadd.s32 $0x88, s3;
	s6 =	simm.s32 @!p1 $0x1082;
	[sflag:s4] =	ssyncset.s32 $0xFFFFF086  }
0x25: {  	[simem:s6], [sflag:s4] =	dma.local [hbm:s3], $0xF7A  }
0x26: {  	[smem:$0x3F9D] =	sst s1;
	(tag) =	ssettag s2;
	_ =	strace s9  }
0x27: {  	s1 =	sld [smem:$0x3FAD]  }
0x28: {  	s2 =	sld [smem:$0x3FAE]  }
0x29: {  	s4 =	sld [smem:$0x3FB0]  }
0x2a: {  	p0 =	seq.s32 s5, $0x0;
	s5 =	sld [smem:$0x3FB1]  }
0x2b: {  	s6 =	sld [smem:$0x3FB2]  }
0x2c: {  	s7 =	sld [smem:$0x3FB3]  }
0x2d: {  	s3 =	simm.s32 $0x108;
	s8 =	sld [smem:$0x3FB4]  }
0x2e: {  	s3 =	simm.s32 @!p0 $0x1082;
	s9 =	sld [smem:$0x3FB5]  }
0x2f: {  	lr =	sadd.s32 s0, s3;
	s0 =	sld [smem:$0x3FAC]  }
0x30: {  	s3 =	sld [smem:$0x3FAF]  }
0x31: {  	[smem:$0x3FB8] =	sst s10  }
0x32: {  	s10 =	sld [smem:$0x3FB6];
	_ =	sdelay $0x3  }
0x33: {  	p0 =	seq.s32 s10, $0x1;
	s10 =	sld [smem:$0x3FB8];
	_ =	sdelay $0x3  }
0x34: {  	[smem:$0x3FB8] =	sst s10  }
0x35: {  	s10 =	sld [smem:$0x3FB7];
	_ =	sdelay $0x3  }
0x36: {  	p1 =	seq.s32 s10, $0x1;
	s10 =	sld [smem:$0x3FB8];
	_ =	sdelay $0x3  }
0x37: {  	[smem:$0x3FB8] =	sst s10  }
0x38: {  	s10 =	sld [smem:$0x3FB9]  }
0x39: {  	_ = 	snop;
	(pc) =	sbr.ind lr, $3  }
0x3a: {  	_ = 	snop  }
0x3b: {  	_ = 	snop  }
0x3c: {  	p2 =	seq.s32 s10, $0x1;
	s10 =	sld [smem:$0x3FB8]  }
0x3d: {  	_ =	shalt  }
0x3e: {  	_ =	shalt  }
0x3f: {  	_ =	shalt  }
0x40: {  	_ =	shalt  }
0x41: {  	_ =	shalt  }
0x42: {  	_ =	shalt  }
0x43: {  	_ =	shalt  }
0x44: {  	_ =	shalt  }
0x45: {  	_ =	shalt  }
0x46: {  	_ =	shalt  }
0x47: {  	_ =	shalt  }
0x48: {  	_ =	shalt  }
0x49: {  	_ =	shalt  }
0x4a: {  	_ =	shalt  }
0x4b: {  	_ =	shalt  }
0x4c: {  	_ =	shalt  }
0x4d: {  	_ =	shalt  }
0x4e: {  	_ =	shalt  }
0x4f: {  	_ =	shalt  }
0x50: {  	_ =	shalt  }
0x51: {  	_ =	shalt  }
0x52: {  	_ =	shalt  }
0x53: {  	_ =	shalt  }
0x54: {  	_ =	shalt  }
0x55: {  	_ =	shalt  }
0x56: {  	_ =	shalt  }
0x57: {  	_ =	shalt  }
0x58: {  	_ =	shalt  }
0x59: {  	_ =	shalt  }
0x5a: {  	_ =	shalt  }
0x5b: {  	_ =	shalt  }
0x5c: {  	_ =	shalt  }
0x5d: {  	_ =	shalt  }
0x5e: {  	_ =	shalt  }
0x5f: {  	_ =	shalt  }
0x60: {  	_ =	shalt  }
0x61: {  	_ =	shalt  }
0x62: {  	_ =	shalt  }
0x63: {  	_ =	shalt  }
0x64: {  	_ =	shalt  }
0x65: {  	_ =	shalt  }
0x66: {  	_ =	shalt  }
0x67: {  	_ =	shalt  }
0x68: {  	_ =	shalt  }
0x69: {  	_ =	shalt  }
0x6a: {  	_ =	shalt  }
0x6b: {  	_ =	shalt  }
0x6c: {  	_ =	shalt  }
0x6d: {  	_ =	shalt  }
0x6e: {  	_ =	shalt  }
0x6f: {  	_ =	shalt  }
0x70: {  	_ =	shalt  }
0x71: {  	_ =	shalt  }
0x72: {  	_ =	shalt  }
0x73: {  	_ =	shalt  }
0x74: {  	_ =	shalt  }
0x75: {  	_ =	shalt  }
0x76: {  	_ =	shalt  }
0x77: {  	_ =	shalt  }
0x78: {  	_ =	shalt  }
0x79: {  	_ =	shalt  }
0x7a: {  	_ =	shalt  }
0x7b: {  	_ =	shalt  }
0x7c: {  	_ =	shalt  }
0x7d: {  	_ =	shalt  }
0x7e: {  	_ =	shalt  }
0x7f: {  	_ =	shalt  }
0x80: {  	_ =	shalt  }
0x81: {  	_ =	shalt  }
0x82: {  	_ =	shalt  }
0x83: {  	_ =	shalt  }
0x84: {  	_ =	shalt  }
0x85: {  	_ =	shalt  }
0x86: {  	_ =	shalt  }
0x87: {  	_ =	shalt  }
.Lfunc_end0:
.L_simem_size_0:
called_computation_lowered:
.L_overlay_start_0:
0x88: {  	s2 =	sld [smem:$0x3FD9]  }
0x89: {  	s3 =	sld [smem:$0x3FFE];
	_ =	sdelay $0x1  }
0x8a: {  	s1 =	srdreg.scid  }
0x8b: {  	s0 =	sand.u32 $0x1, s1  }
0x8c: {  	s17 =	sshll.u32 s0, $0xA;
	s2 =	sadd.s32 s3, s2  }
0x8d: {  	s2 =	sadd.s32 s2, s17  }
0x8e: {  	[smem:$0x3FC4] =	sst s2  }
0x8f: {  	_ = 	snop  }
0x90: {  	s2 =	sld [smem:$0x3FD0];
	(tm) =	ssettm $0x1  }
0x91: {  	s18 =	sld [smem:$0x3FFB];
	_ =	sdelay $0x3  }
0x92: {  	_ =	strace s18  }
0x93: {  	s3 =	sld [smem:$0x3FFC];
	_ =	sdelay $0x3  }
0x94: {  	_ =	strace s3  }
0x95: {  	s3 =	sld [smem:$0x3FFD];
	_ =	sdelay $0x3  }
0x96: {  	_ =	strace s3  }
0x97: {  	_ =	strace $0x8FFFFFFF  }
0x98: {  	s19 =	sld [smem:$0x3FDB];
	_ =	sdelay $0x1  }
0x99: {  	s4 =	simm.s32 $_scs_section_size  }
0x9a: {  	s5 =	simm.s32 $_size__tile_overlayer_lowered;
	s6 =	simm.s32 $_tile_overlayer_lowered  }
0x9b: {  	s22 =	simm.s32 $0x1BFF;
	s21 =	sshll.u32 s6, $0x1;
	s3 =	sadd.s32 s4, s19  }
0x9c: {  	s7 =	simm.s32 $0x0;
	s20 =	sshll.u32 s5, $0x1;
	s5 =	sadd.s32 s21, s3  }
0x9d: {  	[timem:s7], [sflag:s22] =	dma.local [hbm:s5], s20  }
0x9e: {  	_ =	swait.ge [sflag:s22], s20  }
0x9f: {  	s4 =	ssub.s32 $0x0, s20;
	[sflag:s22] =	ssyncset.done $0x0  }
0xa0: {  	[sflag:s22] =	ssyncadd.s32 s4;
	_ =	sdelay $0x1  }
0xa1: {  	s23 =	simm.s32 $0x1B8B  }
0xa2: {  	_ =	swait.ge [sflag:s23], $0x1  }
0xa3: {  	[sflag:s23] =	ssyncset.done $0x0  }
0xa4: {  	s25 =	simm.s32 $0x1B8E;
	s24 =	sld [smem:$0x3FFE];
	[sflag:s23] =	ssyncadd.s32 $0xFFFFFFFF  }
0xa5: {  	s26 =	simm.s32 $execute0_lowered;
	[smem:$0x3FD2] =	sst s25  }
0xa6: {  	s5 =	sshll.u32 s26, $0x1;
	_ =	strace $0x80000046;
	[dreg:$0x1] =	wrdreg $0xFFFFFFFF  }
0xa7: {  	s28 =	simm.s32 $_size_execute0_lowered;
	s3 =	sadd.s32 s3, s5;
	[dreg:$0x0] =	wrdreg $0x0  }
0xa8: {  	s5 =	sshll.u32 s28, $0x1;
	[dreg:$0x2] =	wrdreg s3  }
0xa9: {  	[dreg:$0x3] =	wrdreg s5  }
0xaa: {  	[dreg:$0x4] =	wrdreg $0xC0  }
0xab: {  	_ =	task [dreg:s7], $0x5FFFF  }
0xac: {  	[dreg:$0x1] =	wrdreg $0xFFFFFFFF  }
0xad: {  	[dreg:$0x0] =	wrdreg $0x60  }
0xae: {  	[dreg:$0x2] =	wrdreg s24  }
0xaf: {  	[dreg:$0x3] =	wrdreg s2  }
0xb0: {  	[dreg:$0x4] =	wrdreg $0x9  }
0xb1: {  	_ =	task.clear_ibuf [dreg:s7], $0x5FFFF;
	_ =	strace $0x90000046  }
0xb2: {  	s29 =	simm.s32 $0x9;
	_ =	strace $0x80000048  }
0xb3: {  	_ =	swait.ge [sflag:s29], $0x1  }
0xb4: {  	[sflag:s29] =	ssyncadd.s32 $0xFFFFFFFF  }
0xb5: {  	_ =	strace $0x90000048  }
0xb6: {  	_ =	sfence  }
0xb7: {  	s30 =	sld [smem:$0x0];
	_ =	sdelay $0x2  }
0xb8: {  	s31 =	sshll.u32 s1, $0xD;
	s1 =	sshrl.u32 s1, $0x2  }
0xb9: {  	s3 =	sand.u32 $0x4000, s31;
	s1 =	sadd.s32 s1, s30  }
0xba: {  	s0 =	sor.u32 s3, s0;
	s1 =	sshll.u32 s1, $0x11  }
0xbb: {  	s0 =	sor.u32 s1, s0  }
0xbc: {  	s0 =	sadd.s32 $0x8F2B, s0  }
0xbd: {  	[sflag:s0] =	ssyncadd.remote.s32 $0x1  }
0xbe: {  	_ =	sfence.sel $0xFFFF  }
0xbf: {  	[dreg:$0x0] =	wrdreg $0xFFFFFFFF;
	(pc) =	sbr.abs _section_cstart, $3  }
0xc0: {  	[dreg:$0x1] =	wrdreg $0xFFFFFFFF  }
0xc1: {  	_ =	task.clear_ibuf [dreg:s7], $0x2FFFF;
	_ =	strace $0x9FFFFFFF  }
0xc2: {  	(tm) =	ssettm $0x7FFFFFFF  }
0xc3: {  	_ =	shalt  }
tec
execute0_lowered:
.L_overlay_start_1:
0x0: {  	(tag) =	ssettag $0x1  }
0x1: {  	s0 =	srdreg.scid;
	s4 =	rddreg [dreg:$0x0]  }
0x2: {  	s5 =	rddreg [dreg:$0x1];
	s2 =	simm.s32 $0x0;
	s3 =	sand.u32 $0x1, s0  }
0x3: {  	s10 =	simm.s32 $0x0;
	s0 =	stileid.u32;
	s1 =	sshll.u32 s3, $0x4  }
0x4: {  	s7 =	smul.u32 $0x28000, s3;
	s8 =	sshrl.u32 s0, $0x3;
	s1 =	sor.u32 s0, s1  }
0x5: {  	[smem:$0x7FF] =	sst s2;
	s8 =	smul.u32 $0x14000, s8;
	s1 =	sshrl.u32 s1, $0x3  }
0x6: {  	s9 =	sshll.u32 s0, $0x7;
	s3 =	ssub.s32 $0x2, s3;
	s6 =	smul.u32 $0x13C00, s1  }
0x7: {  	s9 =	sand.u32 $0x380, s9;
	s31 =	sshrl.u32 s3, $0x1;
	s1 =	rddreg [dreg:$0x2]  }
0x8: {  	_ =	strace $0x80000047;
	s7 =	sadd.s32 s7, s8;
	s6 =	sor.u32 s9, s6  }
0x9: {  	s8 =	simm.s32 $0x1;
	s7 =	sor.u32 s9, s7;
	s6 =	sshrl.u32 s6, $0x3  }
0xa: {  	s7 =	sshrl.u32 s7, $0x3;
	s9 =	simm.s32 $0x2780;
	s4 =	sadd.s32 s6, s4  }
0xb: {  	s6 =	ssub.s32 s3, s31;
	s3 =	sadd.s32 $0xAC00, s4;
	s4 =	sadd.s32 s5, s7  }
0xc: {  	v0 =	vimm.f32 $0.0e+00;
	v1 =	vimm.f32 $1.000000000e+00;
	s5 =	smax.u32 s6, $0x1;
	s6 =	simm.s32 $0x80;
	s7 =	simm.s32 $0x400  }
.LBB2_1:
0xd: {  	[tilespmem:s2], [sflag:$0x1] =	stream.strided.gather [hbm4b:s3+s6], $0x2780, s7, s6, $0x38;
	[tilespmem:$0x4F80] =	vst v63  }
0xe: {  	_ =	swait.ge [sflag:s8], $0x2780  }
0xf: {  	[sflag:s8] =	ssyncset.done $0x0  }
0x10: {  	s11 =	simm.s32 $0x0;
	[sflag:s8] =	ssyncadd.s32 $0xFFFFD880  }
.LBB2_2:
0x11: {  	p0 =	sne.s32 s11, $0x9FC0  }
.Ltmp0:
0x12: {  	_ = 	snop;
	(pc) =	sbr.rel @p0 .LBB2_2-.Ltmp0, $3  }
0x13: {  	_ =	sdelay $0x1  }
0x14: {  	s12 =	sshra.s32 s11, $0x2  }
0x15: {  	s11 =	sadd.s32 $0x40, s11;
	[tilespmem:s12+$0x2780] =	vst v0  }
0x16: {  	s12 =	simm.s32 $0x0;
	s11 =	simm.s32 $0x40  }
.LBB2_4:
0x17: {  	p0 =	sne.s32 s11, $0x9DC0;
	v2 =	vld [tilespmem:s12+$0x0];
	_ =	sdelay $0x3  }
.Ltmp1:
0x18: {  	(pc) =	sbr.rel @p0 .LBB2_4-.Ltmp1, $2  }
0x19: {  	_ =	sdelay $0x2  }
0x1a: {  	s12 =	sshra.s32 s11, $0x2;
	s11 =	sadd.s32 $0x40, s11;
	[tilespmem:v2+s9+$0x0] =	vst.idx.add.f32.msk $0xffff, v1  }
0x1b: {  	v2 =	vld [tilespmem:s12+$0x0];
	_ =	sdelay $0x5  }
0x1c: {  	s10 =	sadd.s32 $0x1, s10  }
0x1d: {  	p0 =	sne.s32 s10, s5  }
.Ltmp2:
0x1e: {  	[tilespmem:v2+s9+$0x0] =	vst.idx.add.f32.msk $0xffff, v1;
	(pc) =	sbr.rel @p0 .LBB2_1-.Ltmp2, $4  }
0x1f: {  	[hbm4b:s4+s6] =	stream.strided.scatter [tilespmem:s9], [sflag:$0x1], $0x2800, s7, s6, $0x38;
	[tilespmem:$0x4F80] =	vst v63  }
0x20: {  	_ =	swait.ge [sflag:s8], $0x2800  }
0x21: {  	[sflag:s8] =	ssyncset.done $0x0  }
0x22: {  	[sflag:s8] =	ssyncadd.s32 $0xFFFFD800  }
0x23: {  	_ =	sfence.sel $0x180000  }
0x24: {  	[bflag:$0x0] =	sbarrier.arrive $0xFFFF  }
0x25: {  	p0 =	sne.s32 s0, $0x0;
	_ =	strace $0x90000047  }
0x26: {  	s0 =	sadd.s32 @!p0 $0x100000, s1;
	[bflag:$0x2] =	sbarrier.arrive $0xFFFF  }
0x27: {  	[sflag:s0] =	ssyncadd.tile.s32 @!p0 $0x1;
	_ =	shalt  }
.Lfunc_end2:
_tile_overlayer_lowered:
.L_overlay_start_2:
0x28: {  	(tag) =	ssettag $0x2  }
0x29: {  	s0 =	rddreg [dreg:$0x0];
	s2 =	stileid.u32  }
0x2a: {  	s1 =	rddreg [dreg:$0x1];
	p0 =	sne.s32 s2, $0x0  }
0x2b: {  	s3 =	rddreg [dreg:$0x2];
	[bflag:$0x3] =	sbarrier.arrive $0xFFFF;
	s2 =	simm.s32 @!p0 $0x1C01  }
0x2c: {  	[timem:s3], [sflag:s2] =	dma.local @!p0 [hbm:s0], s1  }
0x2d: {  	s0 =	simm.s32 @!p0 $0x1  }
0x2e: {  	_ =	swait.ge @!p0 [sflag:s0], s1  }
0x2f: {  	s1 =	ssub.s32 @!p0 $0x0, s1;
	[sflag:s0] =	ssyncset.done @!p0 $0x0  }
0x30: {  	[sflag:s0] =	ssyncadd.s32 @!p0 s1  }
0x31: {  	[bflag:$0x3] =	sbarrier.arrive $0xFFFF  }
0x32: {  	_ =	shalt  }

// kernel: kernel.9.cloned.1.call-start
scs
__scs_entry_jumppad:
0x0: {  	(pc) =	sbr.rel $0x88, $3  }
0x1: {  	(tag) =	ssettag $0x0;
	lr =	simm.s32 $0x1  }
0x2: {  	[smem:$0x3F9D] =	sst lr;
	_ =	strace $0xD0000000  }
0x3: {  	_ = 	snop  }
0x4: {  	_ = 	snop  }
0x5: {  	_ = 	snop  }
0x6: {  	_ = 	snop  }
0x7: {  	_ = 	snop  }
__scs_overlays_trampoline_lowered:
0x8: {  	[smem:$0x3FAC] =	sst s0  }
0x9: {  	[smem:$0x3FAD] =	sst s1  }
0xa: {  	[smem:$0x3FAE] =	sst s2  }
0xb: {  	[smem:$0x3FAF] =	sst s3  }
0xc: {  	[smem:$0x3FB0] =	sst s4  }
0xd: {  	[smem:$0x3FB1] =	sst s5  }
0xe: {  	[smem:$0x3FB2] =	sst s6  }
0xf: {  	[smem:$0x3FB3] =	sst s7  }
0x10: {  	[smem:$0x3FB4] =	sst s8  }
0x11: {  	[smem:$0x3FB5] =	sst s9;
	s0 =	simm.s32 @!p0 $0x0  }
0x12: {  	s1 =	sld [smem:$0x3F9B];
	s0 =	simm.s32 @p0 $0x1  }
0x13: {  	[smem:$0x3FB6] =	sst s0;
	s0 =	simm.s32 @!p1 $0x0  }
0x14: {  	s2 =	sld [smem:$0x3F9A];
	s0 =	simm.s32 @p1 $0x1  }
0x15: {  	[smem:$0x3FB7] =	sst s0;
	s0 =	simm.s32 @!p2 $0x0  }
0x16: {  	s3 =	sld [smem:$0x3FDB];
	s0 =	simm.s32 @p2 $0x1  }
0x17: {  	s4 =	simm.s32 $0x1BF5;
	[smem:$0x3FB9] =	sst s0  }
0x18: {  	s0 =	sld [smem:$0x3F9C];
	_ =	swait.ge [sflag:s4], $0x0  }
0x19: {  	s7 =	sld [smem:$0x3F9D]  }
0x1a: {  	s8 =	sadd.s32 $0xFFFFE003, lr  }
0x1b: {  	s9 =	sadd.s32 $0xFFFFFEF7, lr;
	s5 =	simm.s32 $0xFFFFFFFF;
	p2 =	slt.u32 s8, $0xFFFFF086  }
0x1c: {  	p1 =	slt.u32 s9, $0xF7A;
	s5 =	simm.s32 @!p2 $0x0  }
0x1d: {  	s5 =	simm.s32 @p1 $0x1;
	p0 =	seq.s32 s7, s2  }
0x1e: {  	s7 =	smul.u32 @!p0 $0xF7A, s2;
	p2 =	seq.s32 @!p0 s5, $0x0  }
0x1f: {  	s9 =	smul.u32 $0xF7A, s1;
	s8 =	simm.s32 @!p0 $0x1BF5;
	p2 =	por !p2, p0  }
0x20: {  	[sflag:s8] =	ssyncset.s32 @!p0 $0xFFFFF086;
	s6 =	sadd.s32 @!p0 s3, s7;
	s7 =	simm.s32 @!p0 $0x108  }
0x21: {  	s3 =	sadd.s32 s3, s9;
	s6 =	sadd.s32 @!p0 $0x88, s6;
	s7 =	simm.s32 @p2 $0x1082  }
0x22: {  	[simem:s7], [sflag:s8] =	dma.local @!p0 [hbm:s6], $0xF7A  }
0x23: {  	s9 =	sor.u32 $0xD0000000, s2;
	s6 =	simm.s32 $0x108;
	_ =	swait.ge @!p0 [sflag:s8], $0x0  }
0x24: {  	s3 =	sadd.s32 $0x88, s3;
	s6 =	simm.s32 @!p1 $0x1082;
	[sflag:s4] =	ssyncset.s32 $0xFFFFF086  }
0x25: {  	[simem:s6], [sflag:s4] =	dma.local [hbm:s3], $0xF7A  }
0x26: {  	[smem:$0x3F9D] =	sst s1;
	(tag) =	ssettag s2;
	_ =	strace s9  }
0x27: {  	s1 =	sld [smem:$0x3FAD]  }
0x28: {  	s2 =	sld [smem:$0x3FAE]  }
0x29: {  	s4 =	sld [smem:$0x3FB0]  }
0x2a: {  	p0 =	seq.s32 s5, $0x0;
	s5 =	sld [smem:$0x3FB1]  }
0x2b: {  	s6 =	sld [smem:$0x3FB2]  }
0x2c: {  	s7 =	sld [smem:$0x3FB3]  }
0x2d: {  	s3 =	simm.s32 $0x108;
	s8 =	sld [smem:$0x3FB4]  }
0x2e: {  	s3 =	simm.s32 @!p0 $0x1082;
	s9 =	sld [smem:$0x3FB5]  }
0x2f: {  	lr =	sadd.s32 s0, s3;
	s0 =	sld [smem:$0x3FAC]  }
0x30: {  	s3 =	sld [smem:$0x3FAF]  }
0x31: {  	[smem:$0x3FB8] =	sst s10  }
0x32: {  	s10 =	sld [smem:$0x3FB6];
	_ =	sdelay $0x3  }
0x33: {  	p0 =	seq.s32 s10, $0x1;
	s10 =	sld [smem:$0x3FB8];
	_ =	sdelay $0x3  }
0x34: {  	[smem:$0x3FB8] =	sst s10  }
0x35: {  	s10 =	sld [smem:$0x3FB7];
	_ =	sdelay $0x3  }
0x36: {  	p1 =	seq.s32 s10, $0x1;
	s10 =	sld [smem:$0x3FB8];
	_ =	sdelay $0x3  }
0x37: {  	[smem:$0x3FB8] =	sst s10  }
0x38: {  	s10 =	sld [smem:$0x3FB9]  }
0x39: {  	_ = 	snop;
	(pc) =	sbr.ind lr, $3  }
0x3a: {  	_ = 	snop  }
0x3b: {  	_ = 	snop  }
0x3c: {  	p2 =	seq.s32 s10, $0x1;
	s10 =	sld [smem:$0x3FB8]  }
0x3d: {  	_ =	shalt  }
0x3e: {  	_ =	shalt  }
0x3f: {  	_ =	shalt  }
0x40: {  	_ =	shalt  }
0x41: {  	_ =	shalt  }
0x42: {  	_ =	shalt  }
0x43: {  	_ =	shalt  }
0x44: {  	_ =	shalt  }
0x45: {  	_ =	shalt  }
0x46: {  	_ =	shalt  }
0x47: {  	_ =	shalt  }
0x48: {  	_ =	shalt  }
0x49: {  	_ =	shalt  }
0x4a: {  	_ =	shalt  }
0x4b: {  	_ =	shalt  }
0x4c: {  	_ =	shalt  }
0x4d: {  	_ =	shalt  }
0x4e: {  	_ =	shalt  }
0x4f: {  	_ =	shalt  }
0x50: {  	_ =	shalt  }
0x51: {  	_ =	shalt  }
0x52: {  	_ =	shalt  }
0x53: {  	_ =	shalt  }
0x54: {  	_ =	shalt  }
0x55: {  	_ =	shalt  }
0x56: {  	_ =	shalt  }
0x57: {  	_ =	shalt  }
0x58: {  	_ =	shalt  }
0x59: {  	_ =	shalt  }
0x5a: {  	_ =	shalt  }
0x5b: {  	_ =	shalt  }
0x5c: {  	_ =	shalt  }
0x5d: {  	_ =	shalt  }
0x5e: {  	_ =	shalt  }
0x5f: {  	_ =	shalt  }
0x60: {  	_ =	shalt  }
0x61: {  	_ =	shalt  }
0x62: {  	_ =	shalt  }
0x63: {  	_ =	shalt  }
0x64: {  	_ =	shalt  }
0x65: {  	_ =	shalt  }
0x66: {  	_ =	shalt  }
0x67: {  	_ =	shalt  }
0x68: {  	_ =	shalt  }
0x69: {  	_ =	shalt  }
0x6a: {  	_ =	shalt  }
0x6b: {  	_ =	shalt  }
0x6c: {  	_ =	shalt  }
0x6d: {  	_ =	shalt  }
0x6e: {  	_ =	shalt  }
0x6f: {  	_ =	shalt  }
0x70: {  	_ =	shalt  }
0x71: {  	_ =	shalt  }
0x72: {  	_ =	shalt  }
0x73: {  	_ =	shalt  }
0x74: {  	_ =	shalt  }
0x75: {  	_ =	shalt  }
0x76: {  	_ =	shalt  }
0x77: {  	_ =	shalt  }
0x78: {  	_ =	shalt  }
0x79: {  	_ =	shalt  }
0x7a: {  	_ =	shalt  }
0x7b: {  	_ =	shalt  }
0x7c: {  	_ =	shalt  }
0x7d: {  	_ =	shalt  }
0x7e: {  	_ =	shalt  }
0x7f: {  	_ =	shalt  }
0x80: {  	_ =	shalt  }
0x81: {  	_ =	shalt  }
0x82: {  	_ =	shalt  }
0x83: {  	_ =	shalt  }
0x84: {  	_ =	shalt  }
0x85: {  	_ =	shalt  }
0x86: {  	_ =	shalt  }
0x87: {  	_ =	shalt  }
.Lfunc_end0:
.L_simem_size_0:
called_computation.1_lowered:
.L_overlay_start_0:
0x88: {  	s2 =	sld [smem:$0x3FD9]  }
0x89: {  	s3 =	sld [smem:$0x3FFE];
	_ =	sdelay $0x1  }
0x8a: {  	s1 =	srdreg.scid  }
0x8b: {  	s0 =	sand.u32 $0x1, s1  }
0x8c: {  	s17 =	sshll.u32 s0, $0xA;
	s2 =	sadd.s32 s3, s2  }
0x8d: {  	s2 =	sadd.s32 s2, s17  }
0x8e: {  	[smem:$0x3FC4] =	sst s2  }
0x8f: {  	_ = 	snop  }
0x90: {  	s2 =	sld [smem:$0x3FD0];
	(tm) =	ssettm $0x1  }
0x91: {  	s18 =	sld [smem:$0x3FFB];
	_ =	sdelay $0x3  }
0x92: {  	_ =	strace s18  }
0x93: {  	s3 =	sld [smem:$0x3FFC];
	_ =	sdelay $0x3  }
0x94: {  	_ =	strace s3  }
0x95: {  	s3 =	sld [smem:$0x3FFD];
	_ =	sdelay $0x3  }
0x96: {  	_ =	strace s3  }
0x97: {  	_ =	strace $0x8FFFFFFF  }
0x98: {  	s19 =	sld [smem:$0x3FDB];
	_ =	sdelay $0x1  }
0x99: {  	s4 =	simm.s32 $_scs_section_size  }
0x9a: {  	s5 =	simm.s32 $_size__tile_overlayer_lowered;
	s6 =	simm.s32 $_tile_overlayer_lowered  }
0x9b: {  	s22 =	simm.s32 $0x1BFF;
	s21 =	sshll.u32 s6, $0x1;
	s3 =	sadd.s32 s4, s19  }
0x9c: {  	s7 =	simm.s32 $0x0;
	s20 =	sshll.u32 s5, $0x1;
	s5 =	sadd.s32 s21, s3  }
0x9d: {  	[timem:s7], [sflag:s22] =	dma.local [hbm:s5], s20  }
0x9e: {  	_ =	swait.ge [sflag:s22], s20  }
0x9f: {  	s4 =	ssub.s32 $0x0, s20;
	[sflag:s22] =	ssyncset.done $0x0  }
0xa0: {  	[sflag:s22] =	ssyncadd.s32 s4;
	_ =	sdelay $0x1  }
0xa1: {  	s23 =	simm.s32 $0x1B8B  }
0xa2: {  	_ =	swait.ge [sflag:s23], $0x1  }
0xa3: {  	[sflag:s23] =	ssyncset.done $0x0  }
0xa4: {  	s25 =	simm.s32 $0x1B8E;
	s24 =	sld [smem:$0x3FFE];
	[sflag:s23] =	ssyncadd.s32 $0xFFFFFFFF  }
0xa5: {  	s26 =	simm.s32 $execute0_lowered;
	[smem:$0x3FD2] =	sst s25  }
0xa6: {  	s5 =	sshll.u32 s26, $0x1;
	_ =	strace $0x80000049;
	[dreg:$0x1] =	wrdreg $0xFFFFFFFF  }
0xa7: {  	s28 =	simm.s32 $_size_execute0_lowered;
	s3 =	sadd.s32 s3, s5;
	[dreg:$0x0] =	wrdreg $0x0  }
0xa8: {  	s5 =	sshll.u32 s28, $0x1;
	[dreg:$0x2] =	wrdreg s3  }
0xa9: {  	[dreg:$0x3] =	wrdreg s5  }
0xaa: {  	[dreg:$0x4] =	wrdreg $0xC0  }
0xab: {  	_ =	task [dreg:s7], $0x5FFFF  }
0xac: {  	[dreg:$0x1] =	wrdreg $0xFFFFFFFF  }
0xad: {  	[dreg:$0x0] =	wrdreg $0x60  }
0xae: {  	[dreg:$0x2] =	wrdreg s2  }
0xaf: {  	[dreg:$0x3] =	wrdreg s24  }
0xb0: {  	[dreg:$0x4] =	wrdreg $0x13E000  }
0xb1: {  	[dreg:$0x5] =	wrdreg $0x9  }
0xb2: {  	_ =	task.clear_ibuf [dreg:s7], $0x6FFFF;
	_ =	strace $0x90000049  }
0xb3: {  	s29 =	simm.s32 $0x9;
	_ =	strace $0x8000004B  }
0xb4: {  	_ =	swait.ge [sflag:s29], $0x1  }
0xb5: {  	[sflag:s29] =	ssyncadd.s32 $0xFFFFFFFF  }
0xb6: {  	_ =	strace $0x9000004B  }
0xb7: {  	_ =	sfence  }
0xb8: {  	s30 =	sld [smem:$0x0];
	_ =	sdelay $0x2  }
0xb9: {  	s31 =	sshll.u32 s1, $0xD;
	s1 =	sshrl.u32 s1, $0x2  }
0xba: {  	s3 =	sand.u32 $0x4000, s31;
	s1 =	sadd.s32 s1, s30  }
0xbb: {  	s0 =	sor.u32 s3, s0;
	s1 =	sshll.u32 s1, $0x11  }
0xbc: {  	s0 =	sor.u32 s1, s0  }
0xbd: {  	s0 =	sadd.s32 $0x8F2B, s0  }
0xbe: {  	[sflag:s0] =	ssyncadd.remote.s32 $0x1  }
0xbf: {  	_ =	sfence.sel $0xFFFF  }
0xc0: {  	[dreg:$0x0] =	wrdreg $0xFFFFFFFF;
	(pc) =	sbr.abs _section_cstart, $3  }
0xc1: {  	[dreg:$0x1] =	wrdreg $0xFFFFFFFF  }
0xc2: {  	_ =	task.clear_ibuf [dreg:s7], $0x2FFFF;
	_ =	strace $0x9FFFFFFF  }
0xc3: {  	(tm) =	ssettm $0x7FFFFFFF  }
tec
execute0_lowered:
.L_overlay_start_1:
0x0: {  	(tag) =	ssettag $0x1  }
0x1: {  	s9 =	rddreg [dreg:$0x0]  }
0x2: {  	s4 =	rddreg [dreg:$0x1]  }
0x3: {  	s2 =	rddreg [dreg:$0x2]  }
0x4: {  	s0 =	stileid.u32;
	s5 =	srdreg.scid  }
0x5: {  	s3 =	simm.s32 $0x0;
	s17 =	simm.s32 $0x80;
	s18 =	simm.s32 $0x9E00  }
0x6: {  	s19 =	simm.s32 $0xBE00;
	s20 =	simm.s32 $0x100;
	s21 =	simm.s32 $0xDE00  }
0x7: {  	s22 =	simm.s32 $0x2;
	s24 =	simm.s32 $0x0;
	s7 =	smul.u32 $0xA000, s0  }
0x8: {  	s6 =	sand.u32 $0x1, s5;
	[smem:$0x7FF] =	sst s3;
	s8 =	smul.u32 $0x9E0, s0  }
0x9: {  	s14 =	sadd.s32 $0x96000, s2;
	p0 =	seq.s32 s0, $0xF;
	s5 =	smul.u32 $0xA0000, s6  }
0xa: {  	s23 =	sshll.u32 s0, $0x6;
	_ =	strace $0x8000004A;
	s12 =	smul.u32 $0x9C400, s6  }
0xb: {  	s10 =	ssub.s32 $0x2, s6;
	s30 =	smul.u32 $0x13880, s6;
	s15 =	sshll.u32 @!p0 s0, $0x6  }
0xc: {  	s14 =	sshrl.u32 @p0 s14, $0x3;
	s23 =	sor.u32 $0x1C03, s23;
	s11 =	sshrl.u32 s10, $0x1  }
0xd: {  	s8 =	sadd.s32 s8, s4;
	s6 =	sadd.s32 s7, s2;
	s15 =	sor.u32 @!p0 $0x1C03, s15  }
0xe: {  	s5 =	sadd.s32 s7, s5;
	s11 =	ssub.s32 s10, s11;
	s28 =	sadd.s32 s7, s12  }
0xf: {  	s29 =	sshrl.u32 s12, $0x3;
	s12 =	simm.s32 $0x3;
	s5 =	sshrl.u32 s5, $0x3  }
0x10: {  	s16 =	sshrl.u32 @!p0 s6, $0x3;
	s31 =	sadd.s32 s9, s29;
	s13 =	sadd.s32 s5, s4  }
0x11: {  	s4 =	sadd.s32 $0x14A00, s8;
	s5 =	sadd.s32 $0xE00, s8;
	s8 =	sshrl.u32 s28, $0x3  }
0x12: {  	s11 =	smax.u32 s11, $0x1;
	s7 =	sadd.s32 s9, s8;
	s8 =	sadd.s32 $0x12C00, s31  }
0x13: {  	s9 =	sadd.s32 s9, s30;
	s10 =	sadd.s32 $0x1E800, s13;
	s13 =	simm.s32 $0x4F00  }
.LBB2_1:
0x14: {  	[tilespmem:s3], [sflag:$0x3] =	stream.linear.gather [hbm4b:s4+s3], $0x4F00, $0x38;
	[tilespmem:$0x1DE00] =	vst v63  }
0x15: {  	_ =	swait.ge [sflag:s12], $0x4F00  }
0x16: {  	[sflag:s12] =	ssyncset.done $0x0  }
0x17: {  	[sflag:s12] =	ssyncadd.s32 $0xFFFFB100  }
0x18: {  	[tilespmem:s13], [sflag:$0x3] =	stream.linear.gather [hbm4b:s5+s3], $0x4F00, $0x38;
	[tilespmem:$0x1DE00] =	vst v63  }
0x19: {  	_ =	swait.ge [sflag:s12], $0x4F00  }
0x1a: {  	[sflag:s12] =	ssyncset.done $0x0  }
0x1b: {  	s25 =	simm.s32 @p0 $0x1FC3;
	[sflag:s12] =	ssyncadd.s32 $0xFFFFB100  }
0x1c: {  	[spmem:s14], [sflag:s25] =	dma.local @p0 [hbm:s8], $0xC80  }
0x1d: {  	s25 =	simm.s32 @p0 $0x3  }
0x1e: {  	_ =	swait.ge @p0 [sflag:s25], $0xC80  }
0x1f: {  	[sflag:s25] =	ssyncset.done @p0 $0x0  }
0x20: {  	[sflag:s25] =	ssyncadd.s32 @p0 $0xFFFFF380;
	s25 =	simm.s32 @!p0 $0x3  }
0x21: {  	[spmem:s16], [sflag:s15] =	dma.local @!p0 [hbm:s7], $0x1400  }
0x22: {  	s26 =	smul.u32 $0xCD, s3;
	_ =	swait.ge @!p0 [sflag:s25], $0x1400  }
0x23: {  	[sflag:s25] =	ssyncset.done @!p0 $0x0  }
0x24: {  	[sflag:s25] =	ssyncadd.s32 @!p0 $0xFFFFEC00;
	s25 =	sshrl.u32 s26, $0xA  }
0x25: {  	[bflag:$0x0] =	sbarrier.arrive $0xFFFF;
	s25 =	sand.u32 $0x3F, s25  }
0x26: {  	[tilespmem:s18], [sflag:$0x1] =	stream.indirect.gather [hbm4b:s9+s17], $0x40, s3, s17, $0xb8;
	[tilespmem:$0x1DE00] =	vst v63  }
0x27: {  	s26 =	smul.u32 $0x5, s25;
	s25 =	simm.s32 $0x1  }
0x28: {  	p1 =	por $0x1, $0x1;
	s29 =	smul.u32 $0xCD, s25  }
0x29: {  	[tilespmem:s19], [sflag:$0x1] =	stream.indirect.gather [hbm4b:s9+s17], $0x40, s17, s17, $0xb8;
	[tilespmem:$0x1DE00] =	vst v63  }
0x2a: {  	s28 =	simm.s32 @!p1 $0x2;
	s26 =	ssub.s32 $0x0, s26  }
0x2b: {  	p2 =	por p1, p1;
	s26 =	sand.u32 $0xFF, s26;
	s30 =	sshrl.u32 s29, $0xA  }
0x2c: {  	[tilespmem:s21], [sflag:$0x1] =	stream.indirect.gather [hbm4b:s9+s17], $0x40, s20, s17, $0xb8;
	[tilespmem:$0x1DE00] =	vst v63  }
0x2d: {  	s29 =	simm.s32 $0x2;
	s26 =	sshll.u32 s26, $0xD;
	_ =	swait.ge @!p1 [sflag:s28], $0x2000  }
0x2e: {  	s31 =	sand.u32 $0x3F, s30;
	p1 =	por $0x1, $0x1;
	[sflag:s28] =	ssyncset.done @!p2 $0x0  }
0x2f: {  	s26 =	sadd.s32 $0x9E00, s26;
	[sflag:s28] =	ssyncadd.s32 @!p2 $0xFFFFE000;
	s28 =	simm.s32 @!p1 $0x2  }
0x30: {  	[spmem:s2] =	stream.indirect.scatter.add.f32 [tilespmem:s26], [sflag:$0x2], $0x40, s13, s17, $0xb8;
	[tilespmem:$0x1DE00] =	vst v63  }
0x31: {  	s30 =	smul.u32 $0x5, s31;
	s26 =	simm.s32 $0x4F00;
	_ =	swait.ge @!p1 [sflag:s28], $0x2000  }
.LBB2_2:
0x32: {  	s31 =	smul.u32 $0xCD, s29  }
0x33: {  	s0 =	smov.u32 s25;
	s25 =	smov.u32 s29;
	p2 =	por p1, p1  }
0x34: {  	p1 =	slt.u32 s29, $0x2;
	s26 =	sadd.s32 $0x80, s26;
	s29 =	sadd.s32 $0x1, s29  }
0x35: {  	s1 =	simm.s32 @!p1 $0x2;
	s0 =	ssub.s32 s0, s30;
	p3 =	sne.s32 s29, $0x9E  }
.Ltmp0:
0x36: {  	s30 =	sshrl.u32 s31, $0xA;
	s0 =	sand.u32 $0xFF, s0;
	(pc) =	sbr.rel @p3 .LBB2_2-.Ltmp0, $4  }
0x37: {  	[sflag:s28] =	ssyncset.done @!p2 $0x0;
	s0 =	sshll.u32 s0, $0xD  }
0x38: {  	s30 =	sand.u32 $0x3F, s30;
	[sflag:s28] =	ssyncadd.s32 @!p2 $0xFFFFE000;
	s0 =	sadd.s32 $0x9E00, s0  }
0x39: {  	[spmem:s2] =	stream.indirect.scatter.add.f32 [tilespmem:s0], [sflag:$0x2], $0x40, s26, s17, $0xb8;
	[tilespmem:$0x1DE00] =	vst v63  }
0x3a: {  	s30 =	smul.u32 $0x5, s30;
	s28 =	smov.u32 s1;
	_ =	swait.ge @!p1 [sflag:s1], $0x2000  }
0x3b: {  	_ = 	snop  }
0x3c: {  	s0 =	ssub.s32 s25, s30  }
0x3d: {  	p1 =	por p1, p1;
	s0 =	sand.u32 $0xFF, s0  }
0x3e: {  	[sflag:s28] =	ssyncset.done @!p1 $0x0;
	s0 =	sshll.u32 s0, $0xD  }
0x3f: {  	s1 =	sadd.s32 $0x80, s26;
	[sflag:s28] =	ssyncadd.s32 @!p1 $0xFFFFE000;
	s0 =	sadd.s32 $0x9E00, s0  }
0x40: {  	[spmem:s2] =	stream.indirect.scatter.add.f32 [tilespmem:s0], [sflag:$0x2], $0x40, s1, s17, $0xb8;
	[tilespmem:$0x1DE00] =	vst v63  }
0x41: {  	_ =	swait.ge [sflag:s22], $0x2000  }
0x42: {  	[sflag:s22] =	ssyncset.done $0x0  }
0x43: {  	[sflag:s22] =	ssyncadd.s32 $0xFFFFE000  }
0x44: {  	_ =	swait.ge [sflag:s22], $0x2000  }
0x45: {  	s24 =	sadd.s32 $0x1, s24;
	[sflag:s22] =	ssyncset.done $0x0  }
0x46: {  	p1 =	sne.s32 s24, s11;
	[sflag:s22] =	ssyncadd.s32 $0xFFFFE000  }
.Ltmp1:
0x47: {  	s31 =	sshrl.u32 s6, $0x3;
	[bflag:$0x0] =	sbarrier.arrive $0xFFFF;
	(pc) =	sbr.rel @p1 .LBB2_1-.Ltmp1, $4  }
0x48: {  	[hbm:s10], [sflag:s23] =	dma.local [spmem:s31], $0x1400  }
0x49: {  	_ =	swait.ge [sflag:s12], $0x1400  }
0x4a: {  	[sflag:s12] =	ssyncset.done $0x0  }
0x4b: {  	[sflag:s12] =	ssyncadd.s32 $0xFFFFEC00  }
0x4c: {  	_ =	sfence.sel $0x180000  }
0x4d: {  	[bflag:$0x0] =	sbarrier.arrive $0xFFFF  }
0x4e: {  	_ =	strace $0x9000004A  }
0x4f: {  	s0 =	stileid.u32;
	[bflag:$0x2] =	sbarrier.arrive $0xFFFF  }
0x50: {  	p0 =	sne.s32 s0, $0x0;
	s0 =	rddreg [dreg:$0x3]  }
0x51: {  	s0 =	sadd.s32 @!p0 $0x100000, s0  }
0x52: {  	[sflag:s0] =	ssyncadd.tile.s32 @!p0 $0x1;
	_ =	shalt  }
.Lfunc_end2:
_tile_overlayer_lowered:
.L_overlay_start_2:
0x53: {  	(tag) =	ssettag $0x2  }
0x54: {  	s0 =	rddreg [dreg:$0x0];
	s2 =	stileid.u32  }
0x55: {  	s1 =	rddreg [dreg:$0x1];
	p0 =	sne.s32 s2, $0x0  }
0x56: {  	s3 =	rddreg [dreg:$0x2];
	[bflag:$0x3] =	sbarrier.arrive $0xFFFF;
	s2 =	simm.s32 @!p0 $0x1C03  }
0x57: {  	[timem:s3], [sflag:s2] =	dma.local @!p0 [hbm:s0], s1  }
0x58: {  	s0 =	simm.s32 @!p0 $0x3  }
0x59: {  	_ =	swait.ge @!p0 [sflag:s0], s1  }
0x5a: {  	s1 =	ssub.s32 @!p0 $0x0, s1;
	[sflag:s0] =	ssyncset.done @!p0 $0x0  }
0x5b: {  	[sflag:s0] =	ssyncadd.s32 @!p0 s1  }
0x5c: {  	[bflag:$0x3] =	sbarrier.arrive $0xFFFF  }
0x5d: {  	_ =	shalt  }

</sc_bundles>
